<compile_context>
chip_gen: v7x
topology: tpu7x:2x2x1
jax: 0.10.2.dev20260603
libtpu: 0.0.44.dev20260713+nightly
codegen_flags: <defaults>
</compile_context>

<pallas_src>
import functools

import jax
import jax.numpy as jnp
import numpy as np
from jax import lax
from jax.experimental import pallas as pl
from jax.experimental.pallas import tpu as pltpu
from jax.experimental.pallas import tpu_sc as plsc

B = 4096
KP1 = 11
TEMP = 0.1
GLOBAL_WEIGHT = 0.5

_N_REAL = max(int(B * B * 0.1), B)

def _tf2x32(k1, k2, x0, x1):
    k1 = np.uint32(k1)
    k2 = np.uint32(k2)
    x0 = x0.astype(np.uint32).copy()
    x1 = x1.astype(np.uint32).copy()
    rot = lambda v, r: (v << np.uint32(r)) | (v >> np.uint32(32 - r))
    rots = [np.uint32([13, 15, 26, 6]), np.uint32([17, 29, 16, 24])]
    ks = [k1, k2, np.uint32(k1 ^ k2 ^ np.uint32(0x1BD11BDA))]
    x0 += ks[0]
    x1 += ks[1]
    with np.errstate(over="ignore"):
        for i in range(5):
            for r in rots[i % 2]:
                x0 += x1
                x1 = rot(x1, r) ^ x0
            x0 += ks[(i + 1) % 3]
            x1 += ks[(i + 2) % 3] + np.uint32(i + 1)
    return x0, x1


def _build_pair_indices():
    b1, b2 = _tf2x32(0, 42, np.uint32([0, 0]), np.uint32([0, 1]))
    keys = [(b1[0], b2[0]), (b1[1], b2[1])]
    out = []
    for gk in keys:
        s1, s2 = _tf2x32(gk[0], gk[1], np.uint32([0, 0]), np.uint32([0, 1]))
        k_lo = (s1[1], s2[1])
        cnt = np.arange(_N_REAL, dtype=np.uint32)
        h0, h1 = _tf2x32(k_lo[0], k_lo[1], np.zeros_like(cnt), cnt)
        out.append(((h0 ^ h1) % np.uint32(B)).astype(np.int64))
    i1, i2 = out
    return (i1 * B + i2).astype(np.int32)

_NW = 32
_CHUNK = 4096
_CPW = -(-_N_REAL // (_NW * _CHUNK))
_CAP = _CPW * _CHUNK
_N_PAD = _NW * _CAP
_R_BASE = _N_REAL // _NW
_R_REM = _N_REAL % _NW

def _layout_pairs():
    real = _build_pair_indices()
    out = np.empty((_NW, _CAP), dtype=np.int32)
    off = 0
    for w in range(_NW):
        cnt = _R_BASE + (1 if w < _R_REM else 0)
        out[w, :cnt] = real[off:off + cnt]
        npad = _CAP - cnt
        out[w, cnt:] = ((w * _CAP + np.arange(npad, dtype=np.int64) * 6151)
                        % (B * B)).astype(np.int32)
        off += cnt
    return out.reshape(-1)

_FIDX_NP = _layout_pairs()

_BLK = 256
_GRID = B // _BLK


def _tc_pack_body(tn_blk, tn_full, u_blk, v_full, pk_out):
    f32 = jnp.float32
    dt = 1.0 - lax.dot_general(
        tn_blk[...], tn_full[...],
        dimension_numbers=(((1,), (1,)), ((), ())),
        preferred_element_type=f32)
    inner = lax.dot_general(
        u_blk[...], v_full[...],
        dimension_numbers=(((1,), (1,)), ((), ())),
        preferred_element_type=f32)
    neg = jnp.maximum(-inner, jnp.float32(1.0 + 1e-5))
    ds = jnp.log(neg + jnp.sqrt((neg - 1.0) * (neg + 1.0)))
    rnd = jnp.uint32(0x8000)
    hi = (lax.bitcast_convert_type(dt, jnp.uint32) + rnd) & jnp.uint32(0xFFFF0000)
    lo = (lax.bitcast_convert_type(ds, jnp.uint32) + rnd) >> jnp.uint32(16)
    packed = lax.bitcast_convert_type(hi | lo, jnp.int32)
    pk_out[...] = packed.reshape(_BLK * B)


def _tc_local_body(tn_blk, tn_full, pk_in, loc_out):
    f32 = jnp.float32
    dt = 1.0 - lax.dot_general(
        tn_blk[...], tn_full[...],
        dimension_numbers=(((1,), (1,)), ((), ())),
        preferred_element_type=f32)
    pk = lax.bitcast_convert_type(
        pk_in[...].reshape(_BLK, B), jnp.uint32)
    ds = lax.bitcast_convert_type(pk << jnp.uint32(16), f32)

    inf = jnp.float32(jnp.inf)

    def tmin(xs):
        while len(xs) > 1:
            xs = [jnp.minimum(xs[i], xs[i + 1])
                  for i in range(0, len(xs) - 1, 2)] + (
                      [xs[-1]] if len(xs) % 2 else [])
        return xs[0]

    parts = [dt[:, k * 128:(k + 1) * 128] for k in range(32)]
    m1 = tmin(parts)
    w = [jnp.where(p > m1, p, inf) for p in parts]
    m2 = tmin(w)
    w = [jnp.where(x > m2, x, inf) for x in w]
    m3 = tmin(w)
    w = [jnp.where(x > m3, x, inf) for x in w]
    m4 = tmin(w)
    cands = [m1, m2, m3, m4]
    v = jnp.min(tmin(cands), axis=1, keepdims=True)
    v1 = v
    for m in range(KP1 - 1):
        v = jnp.min(tmin([jnp.where(cc > v, cc, inf) for cc in cands]),
                    axis=1, keepdims=True)
    v11 = v

    sel = (dt > v1) & (dt <= v11)
    itau = jnp.float32(-1.0 / TEMP)
    et = jnp.exp(dt * itau)
    es = jnp.exp(ds * itau)
    etm = jnp.where(sel, et, 0.0)
    ones_c = jnp.ones((B, 1), f32)
    rowdot = lambda x: lax.dot_general(
        x, ones_c, dimension_numbers=(((1,), (0,)), ((), ())),
        preferred_element_type=f32)
    z_t = rowdot(etm)
    c_t = rowdot(etm * dt)
    a_x = rowdot(etm * ds)
    z_s = rowdot(jnp.where(sel, es, 0.0))
    row = (a_x - c_t) / (TEMP * z_t) - jnp.log(z_t) + jnp.log(z_s)
    part = jnp.sum(row)

    @pl.when(pl.program_id(0) == 0)
    def _():
        loc_out[...] = jnp.zeros((1, 1), jnp.float32)

    loc_out[...] += jnp.reshape(part, (1, 1))


def _tc_pack(t_norm, u, v):
    return pl.pallas_call(
        _tc_pack_body,
        grid=(_GRID,),
        in_specs=[
            pl.BlockSpec((_BLK, 64), lambda i: (i, 0)),
            pl.BlockSpec((B, 64), lambda i: (0, 0)),
            pl.BlockSpec((_BLK, 33), lambda i: (i, 0)),
            pl.BlockSpec((B, 33), lambda i: (0, 0)),
        ],
        out_specs=pl.BlockSpec((_BLK * B,), lambda i: (i,)),
        out_shape=jax.ShapeDtypeStruct((B * B,), jnp.int32),
    )(t_norm, t_norm, u, v)


def _tc_local(t_norm, pk):
    f32 = jnp.float32
    return pl.pallas_call(
        _tc_local_body,
        grid=(_GRID,),
        in_specs=[
            pl.BlockSpec((_BLK, 64), lambda i: (i, 0)),
            pl.BlockSpec((B, 64), lambda i: (0, 0)),
            pl.BlockSpec((_BLK * B,), lambda i: (i,)),
        ],
        out_specs=pl.BlockSpec((1, 1), lambda i: (0, 0)),
        out_shape=jax.ShapeDtypeStruct((1, 1), f32),
    )(t_norm, t_norm, pk)




def _sc_body(pk_hbm, fidx_hbm, out_hbm,
             idx_v0, idx_v1, pk_v0, pk_v1, out_v, sem0, sem1):
    c = lax.axis_index("c")
    s = lax.axis_index("s")
    wid = s * 2 + c
    base = wid * _CAP
    lane = lax.broadcasted_iota(jnp.int32, (16,), 0)
    zero = jnp.zeros((16,), jnp.float32)
    bufs = [(idx_v0, pk_v0, sem0), (idx_v1, pk_v1, sem1)]
    limit = _R_BASE + jnp.where(wid < _R_REM, 1, 0)
    himask = jnp.uint32(0xFFFF0000)
    sh16 = jnp.uint32(16)

    def start(i, b):
        idx_v, pk_v, sem = bufs[b]
        off = base + i * _CHUNK
        pltpu.sync_copy(fidx_hbm.at[pl.ds(off, _CHUNK)], idx_v)
        return pltpu.async_copy(pk_hbm.at[idx_v], pk_v, sem)

    def accum(i, b, acc):
        idx_v, pk_v, sem = bufs[b]
        last = i == _CPW - 1

        def vbody(j, a):
            a1, a2, a3, a4, a5 = a
            pk = lax.bitcast_convert_type(pk_v[pl.ds(j * 16, 16)], jnp.uint32)
            dtx = lax.bitcast_convert_type(pk & himask, jnp.float32)
            dsx = lax.bitcast_convert_type(pk << sh16, jnp.float32)
            if last:
                pos = i * _CHUNK + j * 16 + lane
                w = jnp.where(pos < limit, jnp.float32(1.0), jnp.float32(0.0))
                dsx = dsx * w
                dtx = dtx * w
            a1, a2, a3, a4, a5 = (a1 + dsx, a2 + dtx, a3 + dsx * dsx,
                                  a4 + dsx * dtx, a5 + dtx * dtx)
            return (a1, a2, a3, a4, a5)

        return lax.fori_loop(0, _CHUNK // 16, vbody, acc)

    acc = (zero, zero, zero, zero, zero)
    pend = start(0, 0)
    for i in range(_CPW):
        b = i % 2
        nxt = start(i + 1, 1 - b) if i + 1 < _CPW else None
        pend.wait()
        acc = accum(i, b, acc)
        pend = nxt

    a1, a2, a3, a4, a5 = acc
    out_v[0, :] = a1
    out_v[1, :] = a2
    out_v[2, :] = a3
    out_v[3, :] = a4
    out_v[4, :] = a5
    pltpu.sync_copy(out_v, out_hbm.at[wid])


def _sc_sums(pk_flat, fidx):
    mesh = plsc.VectorSubcoreMesh(core_axis_name="c", subcore_axis_name="s")
    k = functools.partial(
        pl.kernel,
        mesh=mesh,
        out_type=jax.ShapeDtypeStruct((_NW, 5, 16), jnp.float32),
        scratch_types=[
            pltpu.VMEM((_CHUNK,), jnp.int32),
            pltpu.VMEM((_CHUNK,), jnp.int32),
            pltpu.VMEM((_CHUNK,), jnp.int32),
            pltpu.VMEM((_CHUNK,), jnp.int32),
            pltpu.VMEM((5, 16), jnp.float32),
            pltpu.SemaphoreType.DMA,
            pltpu.SemaphoreType.DMA,
        ],
    )(_sc_body)
    return k(pk_flat, fidx)




def kernel(student_emb, teacher_emb):
    f32 = jnp.float32
    t_norm_val = jnp.linalg.norm(teacher_emb, axis=-1, keepdims=True)
    t_norm = teacher_emb / jnp.maximum(t_norm_val, 1e-8)
    u = student_emb.astype(f32)
    v = jnp.concatenate([-u[:, 0:1], u[:, 1:]], axis=1)

    tn32 = t_norm.astype(f32)
    d_pk = _tc_pack(tn32, u, v)

    fidx = jnp.asarray(_FIDX_NP)
    sums = _sc_sums(d_pk, fidx)
    loc = _tc_local(tn32, d_pk)
    tot = jnp.sum(sums, axis=(0, 2))
    s_s, s_t, s_ss, s_st, s_tt = tot[0], tot[1], tot[2], tot[3], tot[4]

    n = jnp.float32(_N_REAL)
    local_loss = loc[0, 0] / B
    scale = (s_s / n + 1e-8) / (s_t / n + 1e-8)
    global_loss = (s_ss - 2.0 * scale * s_st + scale * scale * s_tt) / n
    total = local_loss + GLOBAL_WEIGHT * global_loss
    return jnp.nan_to_num(total, nan=0.0, posinf=0.0, neginf=0.0)

# --- scband reference (transcript-rebuilt; emitter-appended) ---
"""Pipeline reference for scband-knnconsistency-loss-25615184953631 (READ-ONLY COPY).

The authoritative reference and input builder live on the scoring server;
editing this copy changes nothing except your own understanding.
"""

import jax, jax.numpy as jnp
import numpy as np

K = 10
TEMPERATURE = 0.1
GLOBAL_WEIGHT = 0.5
GLOBAL_SAMPLE_RATIO = 0.1


def setup_inputs(seed: int = 0) -> dict:
    key = jax.random.key(seed)
    k1, k2 = jax.random.split(key)
    student_emb = jax.random.normal(k1, (4096, 33), dtype=jnp.float32)
    teacher_emb = jax.random.normal(k2, (4096, 64), dtype=jnp.float32)
    return {"student_emb": student_emb, "teacher_emb": teacher_emb}


def lorentz_distance_matrix(x):
    # substrate.distance_matrix: geodesic distance on the Lorentz hyperboloid
    # d(x, y) = arccosh(-<x, y>_L), <x, y>_L = -x0*y0 + sum_i xi*yi
    time = x[:, 0:1]
    spatial = x[:, 1:]
    inner = spatial @ spatial.T - time @ time.T
    neg_inner = jnp.clip(-inner, 1.0 + 1e-5, None)
    return jnp.arccosh(neg_inner)


def reference(student_emb, teacher_emb):
    B = student_emb.shape[0]
    k = min(K, B - 1)
    # F.normalize(teacher_emb, dim=-1, eps=1e-8)
    t_norm_val = jnp.linalg.norm(teacher_emb, axis=-1, keepdims=True)
    t_norm = teacher_emb / jnp.maximum(t_norm_val, 1e-8)
    D_teacher = 1.0 - t_norm @ t_norm.T
    D_student = lorentz_distance_matrix(student_emb)
    # k+1 smallest teacher distances (torch.topk largest=False)
    _, knn_idx = jax.lax.top_k(-D_teacher, k + 1)
    knn_idx = knn_idx[:, 1:]
    batch_idx = jnp.arange(B)[:, None]
    d_t_knn = D_teacher[batch_idx, knn_idx]
    d_s_knn = D_student[batch_idx, knn_idx]
    P_t = jax.nn.softmax(-d_t_knn / TEMPERATURE, axis=-1)
    logP_s = jax.nn.log_softmax(-d_s_knn / TEMPERATURE, axis=-1)
    # F.kl_div(logP_s, P_t, reduction='batchmean')
    local_loss = jnp.sum(P_t * (jnp.log(P_t) - logP_s)) / B
    # global random-pair distance consistency
    num_global = max(int(B * B * GLOBAL_SAMPLE_RATIO), B)
    gk1, gk2 = jax.random.split(jax.random.key(42))
    idx1 = jax.random.randint(gk1, (num_global,), 0, B)
    idx2 = jax.random.randint(gk2, (num_global,), 0, B)
    d_s_g = D_student[idx1, idx2]
    d_t_g = D_teacher[idx1, idx2]
    scale = jax.lax.stop_gradient((jnp.mean(d_s_g) + 1e-8) / (jnp.mean(d_t_g) + 1e-8))
    global_loss = jnp.mean((d_s_g - scale * d_t_g) ** 2)
    total = local_loss + GLOBAL_WEIGHT * global_loss
    return jnp.nan_to_num(total, nan=0.0, posinf=0.0, neginf=0.0)

if __name__ == "__main__":
    import jax
    _d = setup_inputs()
    print(jax.jit(kernel)(*tuple(_d.values())))

</pallas_src>

<mosaic_0001>
#map = affine_map<(d0, d1) -> (0)>
#map1 = affine_map<(d0, d1) -> (0, 0, 0)>
module attributes {stable_mosaic.version = 14 : i64} {
  func.func @_sc_body(%arg0: i32, %arg1: i32, %arg2: memref<16777216xi32, #tpu.memory_space<hbm>>, %arg3: memref<1703936xi32, #tpu.memory_space<hbm>>, %arg4: memref<32x5x16xf32, #tpu.memory_space<hbm>>, %arg5: memref<4096xi32, #tpu.memory_space<vmem>>, %arg6: memref<4096xi32, #tpu.memory_space<vmem>>, %arg7: memref<4096xi32, #tpu.memory_space<vmem>>, %arg8: memref<4096xi32, #tpu.memory_space<vmem>>, %arg9: memref<5x16xf32, #tpu.memory_space<vmem>>, %arg10: memref<!tpu.dma_semaphore, #tpu.memory_space<semaphore_mem>>, %arg11: memref<!tpu.dma_semaphore, #tpu.memory_space<semaphore_mem>>) attributes {dimension_semantics = [#tpu.dimension_semantics<core_parallel>, #tpu.dimension_semantics<subcore_parallel>], iteration_bounds = array<i64: 2, 16>, scalar_prefetch = 0 : i64, scratch_operands = 7 : i64, tpu.core_type = #tpu.core_type<sc_vector_subcore>, window_params = [{transform_indices = #map}, {transform_indices = #map}, {transform_indices = #map1}]} {
    %mul3A = arith.constant 2 : i32
    %mul3A_0 = arith.muli %arg1, %mul3A : i32
    %add3A = arith.addi %mul3A_0, %arg0 : i32
    %mul3A_1 = arith.constant 53248 : i32
    %mul3A_2 = arith.muli %add3A, %mul3A_1 : i32
    %iota3A = tpu.iota {dimensions = array<i32: 0>} : vector<16xi32>
    %broadcast_in_dim3A = arith.constant 0.000000e+00 : f32
    %broadcast_in_dim3A_3 = vector.broadcast %broadcast_in_dim3A : f32 to vector<16xf32>
    %lt3A = arith.constant 25 : i32
    %lt3A_4 = arith.cmpi slt, %add3A, %lt3A : i32
    %jit3A = arith.constant 1 : i32
    %jit3A_5 = arith.constant 0 : i32
    %select_n3A = arith.select %lt3A_4, %jit3A, %jit3A_5 : i32
    %add3A_6 = arith.constant 52428 : i32
    %add3A_7 = arith.addi %add3A_6, %select_n3A : i32
    %add3A_8 = arith.constant 0 : i32
    %add3A_9 = arith.addi %mul3A_2, %add3A_8 : i32
    "tpu.region"() ({
      %run_scoped3A = tpu.sem_alloc : memref<!tpu.dma_semaphore, #tpu.memory_space<semaphore_mem>>
      %dma_start3A_216 = tpu.memref_slice %arg3[%add3A_9] : memref<1703936xi32, #tpu.memory_space<hbm>> -> memref<4096xi32, #tpu.memory_space<hbm>>
      %dma_start3A_217 = tpu.memref_slice %arg3[%add3A_9] : memref<1703936xi32, #tpu.memory_space<hbm>> -> memref<4096xi32, #tpu.memory_space<hbm>>
      tpu.enqueue_dma source(%dma_start3A_217 : memref<4096xi32, #tpu.memory_space<hbm>>) target(%arg5 : memref<4096xi32, #tpu.memory_space<vmem>>) target_semaphore(%run_scoped3A : memref<!tpu.dma_semaphore, #tpu.memory_space<semaphore_mem>>)
      %dma_wait3A_218 = tpu.memref_slice %arg3[%add3A_9] : memref<1703936xi32, #tpu.memory_space<hbm>> -> memref<4096xi32, #tpu.memory_space<hbm>>
      %dma_wait3A_219 = tpu.memref_slice %arg3[%add3A_9] : memref<1703936xi32, #tpu.memory_space<hbm>> -> memref<4096xi32, #tpu.memory_space<hbm>>
      tpu.wait_dma2 semaphore(%run_scoped3A : memref<!tpu.dma_semaphore, #tpu.memory_space<semaphore_mem>>) src(%dma_wait3A_219 : memref<4096xi32, #tpu.memory_space<hbm>>) dst(%arg5 : memref<4096xi32, #tpu.memory_space<vmem>>)
      tpu.yield
    }) : () -> ()
    %dma_start3A = arith.constant 0 : i32
    %dma_start3A_10 = tpu.memref_slice %arg2[%dma_start3A] : memref<16777216xi32, #tpu.memory_space<hbm>> -> memref<16777216xi32, #tpu.memory_space<hbm>>
    tpu.enqueue_indirect_dma source(%dma_start3A_10 : memref<16777216xi32, #tpu.memory_space<hbm>>) target(%arg7 : memref<4096xi32, #tpu.memory_space<vmem>>) offsets(%arg5 : memref<4096xi32, #tpu.memory_space<vmem>>) semaphore(%arg10 : memref<!tpu.dma_semaphore, #tpu.memory_space<semaphore_mem>>)
    %add3A_11 = arith.constant 4096 : i32
    %add3A_12 = arith.addi %mul3A_2, %add3A_11 : i32
    "tpu.region"() ({
      %run_scoped3A = tpu.sem_alloc : memref<!tpu.dma_semaphore, #tpu.memory_space<semaphore_mem>>
      %dma_start3A_216 = tpu.memref_slice %arg3[%add3A_12] : memref<1703936xi32, #tpu.memory_space<hbm>> -> memref<4096xi32, #tpu.memory_space<hbm>>
      %dma_start3A_217 = tpu.memref_slice %arg3[%add3A_12] : memref<1703936xi32, #tpu.memory_space<hbm>> -> memref<4096xi32, #tpu.memory_space<hbm>>
      tpu.enqueue_dma source(%dma_start3A_217 : memref<4096xi32, #tpu.memory_space<hbm>>) target(%arg6 : memref<4096xi32, #tpu.memory_space<vmem>>) target_semaphore(%run_scoped3A : memref<!tpu.dma_semaphore, #tpu.memory_space<semaphore_mem>>)
      %dma_wait3A_218 = tpu.memref_slice %arg3[%add3A_12] : memref<1703936xi32, #tpu.memory_space<hbm>> -> memref<4096xi32, #tpu.memory_space<hbm>>
      %dma_wait3A_219 = tpu.memref_slice %arg3[%add3A_12] : memref<1703936xi32, #tpu.memory_space<hbm>> -> memref<4096xi32, #tpu.memory_space<hbm>>
      tpu.wait_dma2 semaphore(%run_scoped3A : memref<!tpu.dma_semaphore, #tpu.memory_space<semaphore_mem>>) src(%dma_wait3A_219 : memref<4096xi32, #tpu.memory_space<hbm>>) dst(%arg6 : memref<4096xi32, #tpu.memory_space<vmem>>)
      tpu.yield
    }) : () -> ()
    %dma_start3A_13 = arith.constant 0 : i32
    %dma_start3A_14 = tpu.memref_slice %arg2[%dma_start3A_13] : memref<16777216xi32, #tpu.memory_space<hbm>> -> memref<16777216xi32, #tpu.memory_space<hbm>>
    tpu.enqueue_indirect_dma source(%dma_start3A_14 : memref<16777216xi32, #tpu.memory_space<hbm>>) target(%arg8 : memref<4096xi32, #tpu.memory_space<vmem>>) offsets(%arg6 : memref<4096xi32, #tpu.memory_space<vmem>>) semaphore(%arg11 : memref<!tpu.dma_semaphore, #tpu.memory_space<semaphore_mem>>)
    %dma_wait3A = arith.constant 0 : i32
    %dma_wait3A_15 = tpu.memref_slice %arg2[%dma_wait3A] : memref<16777216xi32, #tpu.memory_space<hbm>> -> memref<16777216xi32, #tpu.memory_space<hbm>>
    tpu.wait_indirect_dma semaphore(%arg10 : memref<!tpu.dma_semaphore, #tpu.memory_space<semaphore_mem>>) src(%dma_wait3A_15 : memref<16777216xi32, #tpu.memory_space<hbm>>) dst(%arg7 : memref<4096xi32, #tpu.memory_space<vmem>>)
    %scan3A = arith.constant -65536 : i32
    %scan3A_16 = arith.constant 16 : i32
    %scan3A_17 = arith.constant 0 : i32
    %scan3A_18 = arith.constant 256 : i32
    %scan3A_19 = arith.addi %scan3A_17, %scan3A_18 : i32
    %scan3A_20 = arith.constant 1 : i32
    %scan3A_21:5 = scf.for %scan3A_216 = %scan3A_17 to %scan3A_19 step %scan3A_20 iter_args(%scan3A_217 = %broadcast_in_dim3A_3, %scan3A_218 = %broadcast_in_dim3A_3, %scan3A_219 = %broadcast_in_dim3A_3, %scan3A_220 = %broadcast_in_dim3A_3, %scan3A_221 = %broadcast_in_dim3A_3) -> (vector<16xf32>, vector<16xf32>, vector<16xf32>, vector<16xf32>, vector<16xf32>)  : i32 {
      %mul3A_222 = arith.constant 16 : i32
      %mul3A_223 = arith.muli %scan3A_216, %mul3A_222 : i32
      %get3A = arith.index_cast %mul3A_223 : i32 to index
      %get3A_224 = tpu.vector_load %arg7[%get3A] {strides = array<i32>} : memref<4096xi32, #tpu.memory_space<vmem>>, vector<16xi32>,
      %get3A_225 = vector.shape_cast %get3A_224 : vector<16xi32> to vector<16xi32>
      %bitcast_convert_type3A = tpu.bitcast %get3A_225 : vector<16xi32> -> vector<16xi32>
      %and3A = vector.broadcast %scan3A : i32 to vector<16xi32>
      %and3A_226 = arith.andi %bitcast_convert_type3A, %and3A : vector<16xi32>
      %bitcast_convert_type3A_227 = tpu.bitcast %and3A_226 : vector<16xi32> -> vector<16xf32>
      %shift_left3A = vector.broadcast %scan3A_16 : i32 to vector<16xi32>
      %shift_left3A_228 = arith.shli %bitcast_convert_type3A, %shift_left3A : vector<16xi32>
      %bitcast_convert_type3A_229 = tpu.bitcast %shift_left3A_228 : vector<16xi32> -> vector<16xf32>
      %add3A_230 = arith.addf %scan3A_217, %bitcast_convert_type3A_229 : vector<16xf32>
      %add3A_231 = arith.addf %scan3A_218, %bitcast_convert_type3A_227 : vector<16xf32>
      %mul3A_232 = arith.mulf %bitcast_convert_type3A_229, %bitcast_convert_type3A_229 : vector<16xf32>
      %add3A_233 = arith.addf %scan3A_219, %mul3A_232 : vector<16xf32>
      %mul3A_234 = arith.mulf %bitcast_convert_type3A_229, %bitcast_convert_type3A_227 : vector<16xf32>
      %add3A_235 = arith.addf %scan3A_220, %mul3A_234 : vector<16xf32>
      %mul3A_236 = arith.mulf %bitcast_convert_type3A_227, %bitcast_convert_type3A_227 : vector<16xf32>
      %add3A_237 = arith.addf %scan3A_221, %mul3A_236 : vector<16xf32>
      scf.yield %add3A_230, %add3A_231, %add3A_233, %add3A_235, %add3A_237 : vector<16xf32>, vector<16xf32>, vector<16xf32>, vector<16xf32>, vector<16xf32>
    }
    %scan3A_22 = arith.constant 256 : i32
    %add3A_23 = arith.constant 8192 : i32
    %add3A_24 = arith.addi %mul3A_2, %add3A_23 : i32
    "tpu.region"() ({
      %run_scoped3A = tpu.sem_alloc : memref<!tpu.dma_semaphore, #tpu.memory_space<semaphore_mem>>
      %dma_start3A_216 = tpu.memref_slice %arg3[%add3A_24] : memref<1703936xi32, #tpu.memory_space<hbm>> -> memref<4096xi32, #tpu.memory_space<hbm>>
      %dma_start3A_217 = tpu.memref_slice %arg3[%add3A_24] : memref<1703936xi32, #tpu.memory_space<hbm>> -> memref<4096xi32, #tpu.memory_space<hbm>>
      tpu.enqueue_dma source(%dma_start3A_217 : memref<4096xi32, #tpu.memory_space<hbm>>) target(%arg5 : memref<4096xi32, #tpu.memory_space<vmem>>) target_semaphore(%run_scoped3A : memref<!tpu.dma_semaphore, #tpu.memory_space<semaphore_mem>>)
      %dma_wait3A_218 = tpu.memref_slice %arg3[%add3A_24] : memref<1703936xi32, #tpu.memory_space<hbm>> -> memref<4096xi32, #tpu.memory_space<hbm>>
      %dma_wait3A_219 = tpu.memref_slice %arg3[%add3A_24] : memref<1703936xi32, #tpu.memory_space<hbm>> -> memref<4096xi32, #tpu.memory_space<hbm>>
      tpu.wait_dma2 semaphore(%run_scoped3A : memref<!tpu.dma_semaphore, #tpu.memory_space<semaphore_mem>>) src(%dma_wait3A_219 : memref<4096xi32, #tpu.memory_space<hbm>>) dst(%arg5 : memref<4096xi32, #tpu.memory_space<vmem>>)
      tpu.yield
    }) : () -> ()
    %dma_start3A_25 = arith.constant 0 : i32
    %dma_start3A_26 = tpu.memref_slice %arg2[%dma_start3A_25] : memref<16777216xi32, #tpu.memory_space<hbm>> -> memref<16777216xi32, #tpu.memory_space<hbm>>
    tpu.enqueue_indirect_dma source(%dma_start3A_26 : memref<16777216xi32, #tpu.memory_space<hbm>>) target(%arg7 : memref<4096xi32, #tpu.memory_space<vmem>>) offsets(%arg5 : memref<4096xi32, #tpu.memory_space<vmem>>) semaphore(%arg10 : memref<!tpu.dma_semaphore, #tpu.memory_space<semaphore_mem>>)
    %dma_wait3A_27 = arith.constant 0 : i32
    %dma_wait3A_28 = tpu.memref_slice %arg2[%dma_wait3A_27] : memref<16777216xi32, #tpu.memory_space<hbm>> -> memref<16777216xi32, #tpu.memory_space<hbm>>
    tpu.wait_indirect_dma semaphore(%arg11 : memref<!tpu.dma_semaphore, #tpu.memory_space<semaphore_mem>>) src(%dma_wait3A_28 : memref<16777216xi32, #tpu.memory_space<hbm>>) dst(%arg8 : memref<4096xi32, #tpu.memory_space<vmem>>)
    %scan3A_29 = arith.constant -65536 : i32
    %scan3A_30 = arith.constant 16 : i32
    %scan3A_31 = arith.constant 0 : i32
    %scan3A_32 = arith.constant 256 : i32
    %scan3A_33 = arith.addi %scan3A_31, %scan3A_32 : i32
    %scan3A_34 = arith.constant 1 : i32
    %scan3A_35:5 = scf.for %scan3A_216 = %scan3A_31 to %scan3A_33 step %scan3A_34 iter_args(%scan3A_217 = %scan3A_21#0, %scan3A_218 = %scan3A_21#1, %scan3A_219 = %scan3A_21#2, %scan3A_220 = %scan3A_21#3, %scan3A_221 = %scan3A_21#4) -> (vector<16xf32>, vector<16xf32>, vector<16xf32>, vector<16xf32>, vector<16xf32>)  : i32 {
      %mul3A_222 = arith.constant 16 : i32
      %mul3A_223 = arith.muli %scan3A_216, %mul3A_222 : i32
      %get3A = arith.index_cast %mul3A_223 : i32 to index
      %get3A_224 = tpu.vector_load %arg8[%get3A] {strides = array<i32>} : memref<4096xi32, #tpu.memory_space<vmem>>, vector<16xi32>,
      %get3A_225 = vector.shape_cast %get3A_224 : vector<16xi32> to vector<16xi32>
      %bitcast_convert_type3A = tpu.bitcast %get3A_225 : vector<16xi32> -> vector<16xi32>
      %and3A = vector.broadcast %scan3A_29 : i32 to vector<16xi32>
      %and3A_226 = arith.andi %bitcast_convert_type3A, %and3A : vector<16xi32>
      %bitcast_convert_type3A_227 = tpu.bitcast %and3A_226 : vector<16xi32> -> vector<16xf32>
      %shift_left3A = vector.broadcast %scan3A_30 : i32 to vector<16xi32>
      %shift_left3A_228 = arith.shli %bitcast_convert_type3A, %shift_left3A : vector<16xi32>
      %bitcast_convert_type3A_229 = tpu.bitcast %shift_left3A_228 : vector<16xi32> -> vector<16xf32>
      %add3A_230 = arith.addf %scan3A_217, %bitcast_convert_type3A_229 : vector<16xf32>
      %add3A_231 = arith.addf %scan3A_218, %bitcast_convert_type3A_227 : vector<16xf32>
      %mul3A_232 = arith.mulf %bitcast_convert_type3A_229, %bitcast_convert_type3A_229 : vector<16xf32>
      %add3A_233 = arith.addf %scan3A_219, %mul3A_232 : vector<16xf32>
      %mul3A_234 = arith.mulf %bitcast_convert_type3A_229, %bitcast_convert_type3A_227 : vector<16xf32>
      %add3A_235 = arith.addf %scan3A_220, %mul3A_234 : vector<16xf32>
      %mul3A_236 = arith.mulf %bitcast_convert_type3A_227, %bitcast_convert_type3A_227 : vector<16xf32>
      %add3A_237 = arith.addf %scan3A_221, %mul3A_236 : vector<16xf32>
      scf.yield %add3A_230, %add3A_231, %add3A_233, %add3A_235, %add3A_237 : vector<16xf32>, vector<16xf32>, vector<16xf32>, vector<16xf32>, vector<16xf32>
    }
    %scan3A_36 = arith.constant 256 : i32
    %add3A_37 = arith.constant 12288 : i32
    %add3A_38 = arith.addi %mul3A_2, %add3A_37 : i32
    "tpu.region"() ({
      %run_scoped3A = tpu.sem_alloc : memref<!tpu.dma_semaphore, #tpu.memory_space<semaphore_mem>>
      %dma_start3A_216 = tpu.memref_slice %arg3[%add3A_38] : memref<1703936xi32, #tpu.memory_space<hbm>> -> memref<4096xi32, #tpu.memory_space<hbm>>
      %dma_start3A_217 = tpu.memref_slice %arg3[%add3A_38] : memref<1703936xi32, #tpu.memory_space<hbm>> -> memref<4096xi32, #tpu.memory_space<hbm>>
      tpu.enqueue_dma source(%dma_start3A_217 : memref<4096xi32, #tpu.memory_space<hbm>>) target(%arg6 : memref<4096xi32, #tpu.memory_space<vmem>>) target_semaphore(%run_scoped3A : memref<!tpu.dma_semaphore, #tpu.memory_space<semaphore_mem>>)
      %dma_wait3A_218 = tpu.memref_slice %arg3[%add3A_38] : memref<1703936xi32, #tpu.memory_space<hbm>> -> memref<4096xi32, #tpu.memory_space<hbm>>
      %dma_wait3A_219 = tpu.memref_slice %arg3[%add3A_38] : memref<1703936xi32, #tpu.memory_space<hbm>> -> memref<4096xi32, #tpu.memory_space<hbm>>
      tpu.wait_dma2 semaphore(%run_scoped3A : memref<!tpu.dma_semaphore, #tpu.memory_space<semaphore_mem>>) src(%dma_wait3A_219 : memref<4096xi32, #tpu.memory_space<hbm>>) dst(%arg6 : memref<4096xi32, #tpu.memory_space<vmem>>)
      tpu.yield
    }) : () -> ()
    %dma_start3A_39 = arith.constant 0 : i32
    %dma_start3A_40 = tpu.memref_slice %arg2[%dma_start3A_39] : memref<16777216xi32, #tpu.memory_space<hbm>> -> memref<16777216xi32, #tpu.memory_space<hbm>>
    tpu.enqueue_indirect_dma source(%dma_start3A_40 : memref<16777216xi32, #tpu.memory_space<hbm>>) target(%arg8 : memref<4096xi32, #tpu.memory_space<vmem>>) offsets(%arg6 : memref<4096xi32, #tpu.memory_space<vmem>>) semaphore(%arg11 : memref<!tpu.dma_semaphore, #tpu.memory_space<semaphore_mem>>)
    %dma_wait3A_41 = arith.constant 0 : i32
    %dma_wait3A_42 = tpu.memref_slice %arg2[%dma_wait3A_41] : memref<16777216xi32, #tpu.memory_space<hbm>> -> memref<16777216xi32, #tpu.memory_space<hbm>>
    tpu.wait_indirect_dma semaphore(%arg10 : memref<!tpu.dma_semaphore, #tpu.memory_space<semaphore_mem>>) src(%dma_wait3A_42 : memref<16777216xi32, #tpu.memory_space<hbm>>) dst(%arg7 : memref<4096xi32, #tpu.memory_space<vmem>>)
    %scan3A_43 = arith.constant -65536 : i32
    %scan3A_44 = arith.constant 16 : i32
    %scan3A_45 = arith.constant 0 : i32
    %scan3A_46 = arith.constant 256 : i32
    %scan3A_47 = arith.addi %scan3A_45, %scan3A_46 : i32
    %scan3A_48 = arith.constant 1 : i32
    %scan3A_49:5 = scf.for %scan3A_216 = %scan3A_45 to %scan3A_47 step %scan3A_48 iter_args(%scan3A_217 = %scan3A_35#0, %scan3A_218 = %scan3A_35#1, %scan3A_219 = %scan3A_35#2, %scan3A_220 = %scan3A_35#3, %scan3A_221 = %scan3A_35#4) -> (vector<16xf32>, vector<16xf32>, vector<16xf32>, vector<16xf32>, vector<16xf32>)  : i32 {
      %mul3A_222 = arith.constant 16 : i32
      %mul3A_223 = arith.muli %scan3A_216, %mul3A_222 : i32
      %get3A = arith.index_cast %mul3A_223 : i32 to index
      %get3A_224 = tpu.vector_load %arg7[%get3A] {strides = array<i32>} : memref<4096xi32, #tpu.memory_space<vmem>>, vector<16xi32>,
      %get3A_225 = vector.shape_cast %get3A_224 : vector<16xi32> to vector<16xi32>
      %bitcast_convert_type3A = tpu.bitcast %get3A_225 : vector<16xi32> -> vector<16xi32>
      %and3A = vector.broadcast %scan3A_43 : i32 to vector<16xi32>
      %and3A_226 = arith.andi %bitcast_convert_type3A, %and3A : vector<16xi32>
      %bitcast_convert_type3A_227 = tpu.bitcast %and3A_226 : vector<16xi32> -> vector<16xf32>
      %shift_left3A = vector.broadcast %scan3A_44 : i32 to vector<16xi32>
      %shift_left3A_228 = arith.shli %bitcast_convert_type3A, %shift_left3A : vector<16xi32>
      %bitcast_convert_type3A_229 = tpu.bitcast %shift_left3A_228 : vector<16xi32> -> vector<16xf32>
      %add3A_230 = arith.addf %scan3A_217, %bitcast_convert_type3A_229 : vector<16xf32>
      %add3A_231 = arith.addf %scan3A_218, %bitcast_convert_type3A_227 : vector<16xf32>
      %mul3A_232 = arith.mulf %bitcast_convert_type3A_229, %bitcast_convert_type3A_229 : vector<16xf32>
      %add3A_233 = arith.addf %scan3A_219, %mul3A_232 : vector<16xf32>
      %mul3A_234 = arith.mulf %bitcast_convert_type3A_229, %bitcast_convert_type3A_227 : vector<16xf32>
      %add3A_235 = arith.addf %scan3A_220, %mul3A_234 : vector<16xf32>
      %mul3A_236 = arith.mulf %bitcast_convert_type3A_227, %bitcast_convert_type3A_227 : vector<16xf32>
      %add3A_237 = arith.addf %scan3A_221, %mul3A_236 : vector<16xf32>
      scf.yield %add3A_230, %add3A_231, %add3A_233, %add3A_235, %add3A_237 : vector<16xf32>, vector<16xf32>, vector<16xf32>, vector<16xf32>, vector<16xf32>
    }
    %scan3A_50 = arith.constant 256 : i32
    %add3A_51 = arith.constant 16384 : i32
    %add3A_52 = arith.addi %mul3A_2, %add3A_51 : i32
    "tpu.region"() ({
      %run_scoped3A = tpu.sem_alloc : memref<!tpu.dma_semaphore, #tpu.memory_space<semaphore_mem>>
      %dma_start3A_216 = tpu.memref_slice %arg3[%add3A_52] : memref<1703936xi32, #tpu.memory_space<hbm>> -> memref<4096xi32, #tpu.memory_space<hbm>>
      %dma_start3A_217 = tpu.memref_slice %arg3[%add3A_52] : memref<1703936xi32, #tpu.memory_space<hbm>> -> memref<4096xi32, #tpu.memory_space<hbm>>
      tpu.enqueue_dma source(%dma_start3A_217 : memref<4096xi32, #tpu.memory_space<hbm>>) target(%arg5 : memref<4096xi32, #tpu.memory_space<vmem>>) target_semaphore(%run_scoped3A : memref<!tpu.dma_semaphore, #tpu.memory_space<semaphore_mem>>)
      %dma_wait3A_218 = tpu.memref_slice %arg3[%add3A_52] : memref<1703936xi32, #tpu.memory_space<hbm>> -> memref<4096xi32, #tpu.memory_space<hbm>>
      %dma_wait3A_219 = tpu.memref_slice %arg3[%add3A_52] : memref<1703936xi32, #tpu.memory_space<hbm>> -> memref<4096xi32, #tpu.memory_space<hbm>>
      tpu.wait_dma2 semaphore(%run_scoped3A : memref<!tpu.dma_semaphore, #tpu.memory_space<semaphore_mem>>) src(%dma_wait3A_219 : memref<4096xi32, #tpu.memory_space<hbm>>) dst(%arg5 : memref<4096xi32, #tpu.memory_space<vmem>>)
      tpu.yield
    }) : () -> ()
    %dma_start3A_53 = arith.constant 0 : i32
    %dma_start3A_54 = tpu.memref_slice %arg2[%dma_start3A_53] : memref<16777216xi32, #tpu.memory_space<hbm>> -> memref<16777216xi32, #tpu.memory_space<hbm>>
    tpu.enqueue_indirect_dma source(%dma_start3A_54 : memref<16777216xi32, #tpu.memory_space<hbm>>) target(%arg7 : memref<4096xi32, #tpu.memory_space<vmem>>) offsets(%arg5 : memref<4096xi32, #tpu.memory_space<vmem>>) semaphore(%arg10 : memref<!tpu.dma_semaphore, #tpu.memory_space<semaphore_mem>>)
    %dma_wait3A_55 = arith.constant 0 : i32
    %dma_wait3A_56 = tpu.memref_slice %arg2[%dma_wait3A_55] : memref<16777216xi32, #tpu.memory_space<hbm>> -> memref<16777216xi32, #tpu.memory_space<hbm>>
    tpu.wait_indirect_dma semaphore(%arg11 : memref<!tpu.dma_semaphore, #tpu.memory_space<semaphore_mem>>) src(%dma_wait3A_56 : memref<16777216xi32, #tpu.memory_space<hbm>>) dst(%arg8 : memref<4096xi32, #tpu.memory_space<vmem>>)
    %scan3A_57 = arith.constant -65536 : i32
    %scan3A_58 = arith.constant 16 : i32
    %scan3A_59 = arith.constant 0 : i32
    %scan3A_60 = arith.constant 256 : i32
    %scan3A_61 = arith.addi %scan3A_59, %scan3A_60 : i32
    %scan3A_62 = arith.constant 1 : i32
    %scan3A_63:5 = scf.for %scan3A_216 = %scan3A_59 to %scan3A_61 step %scan3A_62 iter_args(%scan3A_217 = %scan3A_49#0, %scan3A_218 = %scan3A_49#1, %scan3A_219 = %scan3A_49#2, %scan3A_220 = %scan3A_49#3, %scan3A_221 = %scan3A_49#4) -> (vector<16xf32>, vector<16xf32>, vector<16xf32>, vector<16xf32>, vector<16xf32>)  : i32 {
      %mul3A_222 = arith.constant 16 : i32
      %mul3A_223 = arith.muli %scan3A_216, %mul3A_222 : i32
      %get3A = arith.index_cast %mul3A_223 : i32 to index
      %get3A_224 = tpu.vector_load %arg8[%get3A] {strides = array<i32>} : memref<4096xi32, #tpu.memory_space<vmem>>, vector<16xi32>,
      %get3A_225 = vector.shape_cast %get3A_224 : vector<16xi32> to vector<16xi32>
      %bitcast_convert_type3A = tpu.bitcast %get3A_225 : vector<16xi32> -> vector<16xi32>
      %and3A = vector.broadcast %scan3A_57 : i32 to vector<16xi32>
      %and3A_226 = arith.andi %bitcast_convert_type3A, %and3A : vector<16xi32>
      %bitcast_convert_type3A_227 = tpu.bitcast %and3A_226 : vector<16xi32> -> vector<16xf32>
      %shift_left3A = vector.broadcast %scan3A_58 : i32 to vector<16xi32>
      %shift_left3A_228 = arith.shli %bitcast_convert_type3A, %shift_left3A : vector<16xi32>
      %bitcast_convert_type3A_229 = tpu.bitcast %shift_left3A_228 : vector<16xi32> -> vector<16xf32>
      %add3A_230 = arith.addf %scan3A_217, %bitcast_convert_type3A_229 : vector<16xf32>
      %add3A_231 = arith.addf %scan3A_218, %bitcast_convert_type3A_227 : vector<16xf32>
      %mul3A_232 = arith.mulf %bitcast_convert_type3A_229, %bitcast_convert_type3A_229 : vector<16xf32>
      %add3A_233 = arith.addf %scan3A_219, %mul3A_232 : vector<16xf32>
      %mul3A_234 = arith.mulf %bitcast_convert_type3A_229, %bitcast_convert_type3A_227 : vector<16xf32>
      %add3A_235 = arith.addf %scan3A_220, %mul3A_234 : vector<16xf32>
      %mul3A_236 = arith.mulf %bitcast_convert_type3A_227, %bitcast_convert_type3A_227 : vector<16xf32>
      %add3A_237 = arith.addf %scan3A_221, %mul3A_236 : vector<16xf32>
      scf.yield %add3A_230, %add3A_231, %add3A_233, %add3A_235, %add3A_237 : vector<16xf32>, vector<16xf32>, vector<16xf32>, vector<16xf32>, vector<16xf32>
    }
    %scan3A_64 = arith.constant 256 : i32
    %add3A_65 = arith.constant 20480 : i32
    %add3A_66 = arith.addi %mul3A_2, %add3A_65 : i32
    "tpu.region"() ({
      %run_scoped3A = tpu.sem_alloc : memref<!tpu.dma_semaphore, #tpu.memory_space<semaphore_mem>>
      %dma_start3A_216 = tpu.memref_slice %arg3[%add3A_66] : memref<1703936xi32, #tpu.memory_space<hbm>> -> memref<4096xi32, #tpu.memory_space<hbm>>
      %dma_start3A_217 = tpu.memref_slice %arg3[%add3A_66] : memref<1703936xi32, #tpu.memory_space<hbm>> -> memref<4096xi32, #tpu.memory_space<hbm>>
      tpu.enqueue_dma source(%dma_start3A_217 : memref<4096xi32, #tpu.memory_space<hbm>>) target(%arg6 : memref<4096xi32, #tpu.memory_space<vmem>>) target_semaphore(%run_scoped3A : memref<!tpu.dma_semaphore, #tpu.memory_space<semaphore_mem>>)
      %dma_wait3A_218 = tpu.memref_slice %arg3[%add3A_66] : memref<1703936xi32, #tpu.memory_space<hbm>> -> memref<4096xi32, #tpu.memory_space<hbm>>
      %dma_wait3A_219 = tpu.memref_slice %arg3[%add3A_66] : memref<1703936xi32, #tpu.memory_space<hbm>> -> memref<4096xi32, #tpu.memory_space<hbm>>
      tpu.wait_dma2 semaphore(%run_scoped3A : memref<!tpu.dma_semaphore, #tpu.memory_space<semaphore_mem>>) src(%dma_wait3A_219 : memref<4096xi32, #tpu.memory_space<hbm>>) dst(%arg6 : memref<4096xi32, #tpu.memory_space<vmem>>)
      tpu.yield
    }) : () -> ()
    %dma_start3A_67 = arith.constant 0 : i32
    %dma_start3A_68 = tpu.memref_slice %arg2[%dma_start3A_67] : memref<16777216xi32, #tpu.memory_space<hbm>> -> memref<16777216xi32, #tpu.memory_space<hbm>>
    tpu.enqueue_indirect_dma source(%dma_start3A_68 : memref<16777216xi32, #tpu.memory_space<hbm>>) target(%arg8 : memref<4096xi32, #tpu.memory_space<vmem>>) offsets(%arg6 : memref<4096xi32, #tpu.memory_space<vmem>>) semaphore(%arg11 : memref<!tpu.dma_semaphore, #tpu.memory_space<semaphore_mem>>)
    %dma_wait3A_69 = arith.constant 0 : i32
    %dma_wait3A_70 = tpu.memref_slice %arg2[%dma_wait3A_69] : memref<16777216xi32, #tpu.memory_space<hbm>> -> memref<16777216xi32, #tpu.memory_space<hbm>>
    tpu.wait_indirect_dma semaphore(%arg10 : memref<!tpu.dma_semaphore, #tpu.memory_space<semaphore_mem>>) src(%dma_wait3A_70 : memref<16777216xi32, #tpu.memory_space<hbm>>) dst(%arg7 : memref<4096xi32, #tpu.memory_space<vmem>>)
    %scan3A_71 = arith.constant -65536 : i32
    %scan3A_72 = arith.constant 16 : i32
    %scan3A_73 = arith.constant 0 : i32
    %scan3A_74 = arith.constant 256 : i32
    %scan3A_75 = arith.addi %scan3A_73, %scan3A_74 : i32
    %scan3A_76 = arith.constant 1 : i32
    %scan3A_77:5 = scf.for %scan3A_216 = %scan3A_73 to %scan3A_75 step %scan3A_76 iter_args(%scan3A_217 = %scan3A_63#0, %scan3A_218 = %scan3A_63#1, %scan3A_219 = %scan3A_63#2, %scan3A_220 = %scan3A_63#3, %scan3A_221 = %scan3A_63#4) -> (vector<16xf32>, vector<16xf32>, vector<16xf32>, vector<16xf32>, vector<16xf32>)  : i32 {
      %mul3A_222 = arith.constant 16 : i32
      %mul3A_223 = arith.muli %scan3A_216, %mul3A_222 : i32
      %get3A = arith.index_cast %mul3A_223 : i32 to index
      %get3A_224 = tpu.vector_load %arg7[%get3A] {strides = array<i32>} : memref<4096xi32, #tpu.memory_space<vmem>>, vector<16xi32>,
      %get3A_225 = vector.shape_cast %get3A_224 : vector<16xi32> to vector<16xi32>
      %bitcast_convert_type3A = tpu.bitcast %get3A_225 : vector<16xi32> -> vector<16xi32>
      %and3A = vector.broadcast %scan3A_71 : i32 to vector<16xi32>
      %and3A_226 = arith.andi %bitcast_convert_type3A, %and3A : vector<16xi32>
      %bitcast_convert_type3A_227 = tpu.bitcast %and3A_226 : vector<16xi32> -> vector<16xf32>
      %shift_left3A = vector.broadcast %scan3A_72 : i32 to vector<16xi32>
      %shift_left3A_228 = arith.shli %bitcast_convert_type3A, %shift_left3A : vector<16xi32>
      %bitcast_convert_type3A_229 = tpu.bitcast %shift_left3A_228 : vector<16xi32> -> vector<16xf32>
      %add3A_230 = arith.addf %scan3A_217, %bitcast_convert_type3A_229 : vector<16xf32>
      %add3A_231 = arith.addf %scan3A_218, %bitcast_convert_type3A_227 : vector<16xf32>
      %mul3A_232 = arith.mulf %bitcast_convert_type3A_229, %bitcast_convert_type3A_229 : vector<16xf32>
      %add3A_233 = arith.addf %scan3A_219, %mul3A_232 : vector<16xf32>
      %mul3A_234 = arith.mulf %bitcast_convert_type3A_229, %bitcast_convert_type3A_227 : vector<16xf32>
      %add3A_235 = arith.addf %scan3A_220, %mul3A_234 : vector<16xf32>
      %mul3A_236 = arith.mulf %bitcast_convert_type3A_227, %bitcast_convert_type3A_227 : vector<16xf32>
      %add3A_237 = arith.addf %scan3A_221, %mul3A_236 : vector<16xf32>
      scf.yield %add3A_230, %add3A_231, %add3A_233, %add3A_235, %add3A_237 : vector<16xf32>, vector<16xf32>, vector<16xf32>, vector<16xf32>, vector<16xf32>
    }
    %scan3A_78 = arith.constant 256 : i32
    %add3A_79 = arith.constant 24576 : i32
    %add3A_80 = arith.addi %mul3A_2, %add3A_79 : i32
    "tpu.region"() ({
      %run_scoped3A = tpu.sem_alloc : memref<!tpu.dma_semaphore, #tpu.memory_space<semaphore_mem>>
      %dma_start3A_216 = tpu.memref_slice %arg3[%add3A_80] : memref<1703936xi32, #tpu.memory_space<hbm>> -> memref<4096xi32, #tpu.memory_space<hbm>>
      %dma_start3A_217 = tpu.memref_slice %arg3[%add3A_80] : memref<1703936xi32, #tpu.memory_space<hbm>> -> memref<4096xi32, #tpu.memory_space<hbm>>
      tpu.enqueue_dma source(%dma_start3A_217 : memref<4096xi32, #tpu.memory_space<hbm>>) target(%arg5 : memref<4096xi32, #tpu.memory_space<vmem>>) target_semaphore(%run_scoped3A : memref<!tpu.dma_semaphore, #tpu.memory_space<semaphore_mem>>)
      %dma_wait3A_218 = tpu.memref_slice %arg3[%add3A_80] : memref<1703936xi32, #tpu.memory_space<hbm>> -> memref<4096xi32, #tpu.memory_space<hbm>>
      %dma_wait3A_219 = tpu.memref_slice %arg3[%add3A_80] : memref<1703936xi32, #tpu.memory_space<hbm>> -> memref<4096xi32, #tpu.memory_space<hbm>>
      tpu.wait_dma2 semaphore(%run_scoped3A : memref<!tpu.dma_semaphore, #tpu.memory_space<semaphore_mem>>) src(%dma_wait3A_219 : memref<4096xi32, #tpu.memory_space<hbm>>) dst(%arg5 : memref<4096xi32, #tpu.memory_space<vmem>>)
      tpu.yield
    }) : () -> ()
    %dma_start3A_81 = arith.constant 0 : i32
    %dma_start3A_82 = tpu.memref_slice %arg2[%dma_start3A_81] : memref<16777216xi32, #tpu.memory_space<hbm>> -> memref<16777216xi32, #tpu.memory_space<hbm>>
    tpu.enqueue_indirect_dma source(%dma_start3A_82 : memref<16777216xi32, #tpu.memory_space<hbm>>) target(%arg7 : memref<4096xi32, #tpu.memory_space<vmem>>) offsets(%arg5 : memref<4096xi32, #tpu.memory_space<vmem>>) semaphore(%arg10 : memref<!tpu.dma_semaphore, #tpu.memory_space<semaphore_mem>>)
    %dma_wait3A_83 = arith.constant 0 : i32
    %dma_wait3A_84 = tpu.memref_slice %arg2[%dma_wait3A_83] : memref<16777216xi32, #tpu.memory_space<hbm>> -> memref<16777216xi32, #tpu.memory_space<hbm>>
    tpu.wait_indirect_dma semaphore(%arg11 : memref<!tpu.dma_semaphore, #tpu.memory_space<semaphore_mem>>) src(%dma_wait3A_84 : memref<16777216xi32, #tpu.memory_space<hbm>>) dst(%arg8 : memref<4096xi32, #tpu.memory_space<vmem>>)
    %scan3A_85 = arith.constant -65536 : i32
    %scan3A_86 = arith.constant 16 : i32
    %scan3A_87 = arith.constant 0 : i32
    %scan3A_88 = arith.constant 256 : i32
    %scan3A_89 = arith.addi %scan3A_87, %scan3A_88 : i32
    %scan3A_90 = arith.constant 1 : i32
    %scan3A_91:5 = scf.for %scan3A_216 = %scan3A_87 to %scan3A_89 step %scan3A_90 iter_args(%scan3A_217 = %scan3A_77#0, %scan3A_218 = %scan3A_77#1, %scan3A_219 = %scan3A_77#2, %scan3A_220 = %scan3A_77#3, %scan3A_221 = %scan3A_77#4) -> (vector<16xf32>, vector<16xf32>, vector<16xf32>, vector<16xf32>, vector<16xf32>)  : i32 {
      %mul3A_222 = arith.constant 16 : i32
      %mul3A_223 = arith.muli %scan3A_216, %mul3A_222 : i32
      %get3A = arith.index_cast %mul3A_223 : i32 to index
      %get3A_224 = tpu.vector_load %arg8[%get3A] {strides = array<i32>} : memref<4096xi32, #tpu.memory_space<vmem>>, vector<16xi32>,
      %get3A_225 = vector.shape_cast %get3A_224 : vector<16xi32> to vector<16xi32>
      %bitcast_convert_type3A = tpu.bitcast %get3A_225 : vector<16xi32> -> vector<16xi32>
      %and3A = vector.broadcast %scan3A_85 : i32 to vector<16xi32>
      %and3A_226 = arith.andi %bitcast_convert_type3A, %and3A : vector<16xi32>
      %bitcast_convert_type3A_227 = tpu.bitcast %and3A_226 : vector<16xi32> -> vector<16xf32>
      %shift_left3A = vector.broadcast %scan3A_86 : i32 to vector<16xi32>
      %shift_left3A_228 = arith.shli %bitcast_convert_type3A, %shift_left3A : vector<16xi32>
      %bitcast_convert_type3A_229 = tpu.bitcast %shift_left3A_228 : vector<16xi32> -> vector<16xf32>
      %add3A_230 = arith.addf %scan3A_217, %bitcast_convert_type3A_229 : vector<16xf32>
      %add3A_231 = arith.addf %scan3A_218, %bitcast_convert_type3A_227 : vector<16xf32>
      %mul3A_232 = arith.mulf %bitcast_convert_type3A_229, %bitcast_convert_type3A_229 : vector<16xf32>
      %add3A_233 = arith.addf %scan3A_219, %mul3A_232 : vector<16xf32>
      %mul3A_234 = arith.mulf %bitcast_convert_type3A_229, %bitcast_convert_type3A_227 : vector<16xf32>
      %add3A_235 = arith.addf %scan3A_220, %mul3A_234 : vector<16xf32>
      %mul3A_236 = arith.mulf %bitcast_convert_type3A_227, %bitcast_convert_type3A_227 : vector<16xf32>
      %add3A_237 = arith.addf %scan3A_221, %mul3A_236 : vector<16xf32>
      scf.yield %add3A_230, %add3A_231, %add3A_233, %add3A_235, %add3A_237 : vector<16xf32>, vector<16xf32>, vector<16xf32>, vector<16xf32>, vector<16xf32>
    }
    %scan3A_92 = arith.constant 256 : i32
    %add3A_93 = arith.constant 28672 : i32
    %add3A_94 = arith.addi %mul3A_2, %add3A_93 : i32
    "tpu.region"() ({
      %run_scoped3A = tpu.sem_alloc : memref<!tpu.dma_semaphore, #tpu.memory_space<semaphore_mem>>
      %dma_start3A_216 = tpu.memref_slice %arg3[%add3A_94] : memref<1703936xi32, #tpu.memory_space<hbm>> -> memref<4096xi32, #tpu.memory_space<hbm>>
      %dma_start3A_217 = tpu.memref_slice %arg3[%add3A_94] : memref<1703936xi32, #tpu.memory_space<hbm>> -> memref<4096xi32, #tpu.memory_space<hbm>>
      tpu.enqueue_dma source(%dma_start3A_217 : memref<4096xi32, #tpu.memory_space<hbm>>) target(%arg6 : memref<4096xi32, #tpu.memory_space<vmem>>) target_semaphore(%run_scoped3A : memref<!tpu.dma_semaphore, #tpu.memory_space<semaphore_mem>>)
      %dma_wait3A_218 = tpu.memref_slice %arg3[%add3A_94] : memref<1703936xi32, #tpu.memory_space<hbm>> -> memref<4096xi32, #tpu.memory_space<hbm>>
      %dma_wait3A_219 = tpu.memref_slice %arg3[%add3A_94] : memref<1703936xi32, #tpu.memory_space<hbm>> -> memref<4096xi32, #tpu.memory_space<hbm>>
      tpu.wait_dma2 semaphore(%run_scoped3A : memref<!tpu.dma_semaphore, #tpu.memory_space<semaphore_mem>>) src(%dma_wait3A_219 : memref<4096xi32, #tpu.memory_space<hbm>>) dst(%arg6 : memref<4096xi32, #tpu.memory_space<vmem>>)
      tpu.yield
    }) : () -> ()
    %dma_start3A_95 = arith.constant 0 : i32
    %dma_start3A_96 = tpu.memref_slice %arg2[%dma_start3A_95] : memref<16777216xi32, #tpu.memory_space<hbm>> -> memref<16777216xi32, #tpu.memory_space<hbm>>
    tpu.enqueue_indirect_dma source(%dma_start3A_96 : memref<16777216xi32, #tpu.memory_space<hbm>>) target(%arg8 : memref<4096xi32, #tpu.memory_space<vmem>>) offsets(%arg6 : memref<4096xi32, #tpu.memory_space<vmem>>) semaphore(%arg11 : memref<!tpu.dma_semaphore, #tpu.memory_space<semaphore_mem>>)
    %dma_wait3A_97 = arith.constant 0 : i32
    %dma_wait3A_98 = tpu.memref_slice %arg2[%dma_wait3A_97] : memref<16777216xi32, #tpu.memory_space<hbm>> -> memref<16777216xi32, #tpu.memory_space<hbm>>
    tpu.wait_indirect_dma semaphore(%arg10 : memref<!tpu.dma_semaphore, #tpu.memory_space<semaphore_mem>>) src(%dma_wait3A_98 : memref<16777216xi32, #tpu.memory_space<hbm>>) dst(%arg7 : memref<4096xi32, #tpu.memory_space<vmem>>)
    %scan3A_99 = arith.constant -65536 : i32
    %scan3A_100 = arith.constant 16 : i32
    %scan3A_101 = arith.constant 0 : i32
    %scan3A_102 = arith.constant 256 : i32
    %scan3A_103 = arith.addi %scan3A_101, %scan3A_102 : i32
    %scan3A_104 = arith.constant 1 : i32
    %scan3A_105:5 = scf.for %scan3A_216 = %scan3A_101 to %scan3A_103 step %scan3A_104 iter_args(%scan3A_217 = %scan3A_91#0, %scan3A_218 = %scan3A_91#1, %scan3A_219 = %scan3A_91#2, %scan3A_220 = %scan3A_91#3, %scan3A_221 = %scan3A_91#4) -> (vector<16xf32>, vector<16xf32>, vector<16xf32>, vector<16xf32>, vector<16xf32>)  : i32 {
      %mul3A_222 = arith.constant 16 : i32
      %mul3A_223 = arith.muli %scan3A_216, %mul3A_222 : i32
      %get3A = arith.index_cast %mul3A_223 : i32 to index
      %get3A_224 = tpu.vector_load %arg7[%get3A] {strides = array<i32>} : memref<4096xi32, #tpu.memory_space<vmem>>, vector<16xi32>,
      %get3A_225 = vector.shape_cast %get3A_224 : vector<16xi32> to vector<16xi32>
      %bitcast_convert_type3A = tpu.bitcast %get3A_225 : vector<16xi32> -> vector<16xi32>
      %and3A = vector.broadcast %scan3A_99 : i32 to vector<16xi32>
      %and3A_226 = arith.andi %bitcast_convert_type3A, %and3A : vector<16xi32>
      %bitcast_convert_type3A_227 = tpu.bitcast %and3A_226 : vector<16xi32> -> vector<16xf32>
      %shift_left3A = vector.broadcast %scan3A_100 : i32 to vector<16xi32>
      %shift_left3A_228 = arith.shli %bitcast_convert_type3A, %shift_left3A : vector<16xi32>
      %bitcast_convert_type3A_229 = tpu.bitcast %shift_left3A_228 : vector<16xi32> -> vector<16xf32>
      %add3A_230 = arith.addf %scan3A_217, %bitcast_convert_type3A_229 : vector<16xf32>
      %add3A_231 = arith.addf %scan3A_218, %bitcast_convert_type3A_227 : vector<16xf32>
      %mul3A_232 = arith.mulf %bitcast_convert_type3A_229, %bitcast_convert_type3A_229 : vector<16xf32>
      %add3A_233 = arith.addf %scan3A_219, %mul3A_232 : vector<16xf32>
      %mul3A_234 = arith.mulf %bitcast_convert_type3A_229, %bitcast_convert_type3A_227 : vector<16xf32>
      %add3A_235 = arith.addf %scan3A_220, %mul3A_234 : vector<16xf32>
      %mul3A_236 = arith.mulf %bitcast_convert_type3A_227, %bitcast_convert_type3A_227 : vector<16xf32>
      %add3A_237 = arith.addf %scan3A_221, %mul3A_236 : vector<16xf32>
      scf.yield %add3A_230, %add3A_231, %add3A_233, %add3A_235, %add3A_237 : vector<16xf32>, vector<16xf32>, vector<16xf32>, vector<16xf32>, vector<16xf32>
    }
    %scan3A_106 = arith.constant 256 : i32
    %add3A_107 = arith.constant 32768 : i32
    %add3A_108 = arith.addi %mul3A_2, %add3A_107 : i32
    "tpu.region"() ({
      %run_scoped3A = tpu.sem_alloc : memref<!tpu.dma_semaphore, #tpu.memory_space<semaphore_mem>>
      %dma_start3A_216 = tpu.memref_slice %arg3[%add3A_108] : memref<1703936xi32, #tpu.memory_space<hbm>> -> memref<4096xi32, #tpu.memory_space<hbm>>
      %dma_start3A_217 = tpu.memref_slice %arg3[%add3A_108] : memref<1703936xi32, #tpu.memory_space<hbm>> -> memref<4096xi32, #tpu.memory_space<hbm>>
      tpu.enqueue_dma source(%dma_start3A_217 : memref<4096xi32, #tpu.memory_space<hbm>>) target(%arg5 : memref<4096xi32, #tpu.memory_space<vmem>>) target_semaphore(%run_scoped3A : memref<!tpu.dma_semaphore, #tpu.memory_space<semaphore_mem>>)
      %dma_wait3A_218 = tpu.memref_slice %arg3[%add3A_108] : memref<1703936xi32, #tpu.memory_space<hbm>> -> memref<4096xi32, #tpu.memory_space<hbm>>
      %dma_wait3A_219 = tpu.memref_slice %arg3[%add3A_108] : memref<1703936xi32, #tpu.memory_space<hbm>> -> memref<4096xi32, #tpu.memory_space<hbm>>
      tpu.wait_dma2 semaphore(%run_scoped3A : memref<!tpu.dma_semaphore, #tpu.memory_space<semaphore_mem>>) src(%dma_wait3A_219 : memref<4096xi32, #tpu.memory_space<hbm>>) dst(%arg5 : memref<4096xi32, #tpu.memory_space<vmem>>)
      tpu.yield
    }) : () -> ()
    %dma_start3A_109 = arith.constant 0 : i32
    %dma_start3A_110 = tpu.memref_slice %arg2[%dma_start3A_109] : memref<16777216xi32, #tpu.memory_space<hbm>> -> memref<16777216xi32, #tpu.memory_space<hbm>>
    tpu.enqueue_indirect_dma source(%dma_start3A_110 : memref<16777216xi32, #tpu.memory_space<hbm>>) target(%arg7 : memref<4096xi32, #tpu.memory_space<vmem>>) offsets(%arg5 : memref<4096xi32, #tpu.memory_space<vmem>>) semaphore(%arg10 : memref<!tpu.dma_semaphore, #tpu.memory_space<semaphore_mem>>)
    %dma_wait3A_111 = arith.constant 0 : i32
    %dma_wait3A_112 = tpu.memref_slice %arg2[%dma_wait3A_111] : memref<16777216xi32, #tpu.memory_space<hbm>> -> memref<16777216xi32, #tpu.memory_space<hbm>>
    tpu.wait_indirect_dma semaphore(%arg11 : memref<!tpu.dma_semaphore, #tpu.memory_space<semaphore_mem>>) src(%dma_wait3A_112 : memref<16777216xi32, #tpu.memory_space<hbm>>) dst(%arg8 : memref<4096xi32, #tpu.memory_space<vmem>>)
    %scan3A_113 = arith.constant -65536 : i32
    %scan3A_114 = arith.constant 16 : i32
    %scan3A_115 = arith.constant 0 : i32
    %scan3A_116 = arith.constant 256 : i32
    %scan3A_117 = arith.addi %scan3A_115, %scan3A_116 : i32
    %scan3A_118 = arith.constant 1 : i32
    %scan3A_119:5 = scf.for %scan3A_216 = %scan3A_115 to %scan3A_117 step %scan3A_118 iter_args(%scan3A_217 = %scan3A_105#0, %scan3A_218 = %scan3A_105#1, %scan3A_219 = %scan3A_105#2, %scan3A_220 = %scan3A_105#3, %scan3A_221 = %scan3A_105#4) -> (vector<16xf32>, vector<16xf32>, vector<16xf32>, vector<16xf32>, vector<16xf32>)  : i32 {
      %mul3A_222 = arith.constant 16 : i32
      %mul3A_223 = arith.muli %scan3A_216, %mul3A_222 : i32
      %get3A = arith.index_cast %mul3A_223 : i32 to index
      %get3A_224 = tpu.vector_load %arg8[%get3A] {strides = array<i32>} : memref<4096xi32, #tpu.memory_space<vmem>>, vector<16xi32>,
      %get3A_225 = vector.shape_cast %get3A_224 : vector<16xi32> to vector<16xi32>
      %bitcast_convert_type3A = tpu.bitcast %get3A_225 : vector<16xi32> -> vector<16xi32>
      %and3A = vector.broadcast %scan3A_113 : i32 to vector<16xi32>
      %and3A_226 = arith.andi %bitcast_convert_type3A, %and3A : vector<16xi32>
      %bitcast_convert_type3A_227 = tpu.bitcast %and3A_226 : vector<16xi32> -> vector<16xf32>
      %shift_left3A = vector.broadcast %scan3A_114 : i32 to vector<16xi32>
      %shift_left3A_228 = arith.shli %bitcast_convert_type3A, %shift_left3A : vector<16xi32>
      %bitcast_convert_type3A_229 = tpu.bitcast %shift_left3A_228 : vector<16xi32> -> vector<16xf32>
      %add3A_230 = arith.addf %scan3A_217, %bitcast_convert_type3A_229 : vector<16xf32>
      %add3A_231 = arith.addf %scan3A_218, %bitcast_convert_type3A_227 : vector<16xf32>
      %mul3A_232 = arith.mulf %bitcast_convert_type3A_229, %bitcast_convert_type3A_229 : vector<16xf32>
      %add3A_233 = arith.addf %scan3A_219, %mul3A_232 : vector<16xf32>
      %mul3A_234 = arith.mulf %bitcast_convert_type3A_229, %bitcast_convert_type3A_227 : vector<16xf32>
      %add3A_235 = arith.addf %scan3A_220, %mul3A_234 : vector<16xf32>
      %mul3A_236 = arith.mulf %bitcast_convert_type3A_227, %bitcast_convert_type3A_227 : vector<16xf32>
      %add3A_237 = arith.addf %scan3A_221, %mul3A_236 : vector<16xf32>
      scf.yield %add3A_230, %add3A_231, %add3A_233, %add3A_235, %add3A_237 : vector<16xf32>, vector<16xf32>, vector<16xf32>, vector<16xf32>, vector<16xf32>
    }
    %scan3A_120 = arith.constant 256 : i32
    %add3A_121 = arith.constant 36864 : i32
    %add3A_122 = arith.addi %mul3A_2, %add3A_121 : i32
    "tpu.region"() ({
      %run_scoped3A = tpu.sem_alloc : memref<!tpu.dma_semaphore, #tpu.memory_space<semaphore_mem>>
      %dma_start3A_216 = tpu.memref_slice %arg3[%add3A_122] : memref<1703936xi32, #tpu.memory_space<hbm>> -> memref<4096xi32, #tpu.memory_space<hbm>>
      %dma_start3A_217 = tpu.memref_slice %arg3[%add3A_122] : memref<1703936xi32, #tpu.memory_space<hbm>> -> memref<4096xi32, #tpu.memory_space<hbm>>
      tpu.enqueue_dma source(%dma_start3A_217 : memref<4096xi32, #tpu.memory_space<hbm>>) target(%arg6 : memref<4096xi32, #tpu.memory_space<vmem>>) target_semaphore(%run_scoped3A : memref<!tpu.dma_semaphore, #tpu.memory_space<semaphore_mem>>)
      %dma_wait3A_218 = tpu.memref_slice %arg3[%add3A_122] : memref<1703936xi32, #tpu.memory_space<hbm>> -> memref<4096xi32, #tpu.memory_space<hbm>>
      %dma_wait3A_219 = tpu.memref_slice %arg3[%add3A_122] : memref<1703936xi32, #tpu.memory_space<hbm>> -> memref<4096xi32, #tpu.memory_space<hbm>>
      tpu.wait_dma2 semaphore(%run_scoped3A : memref<!tpu.dma_semaphore, #tpu.memory_space<semaphore_mem>>) src(%dma_wait3A_219 : memref<4096xi32, #tpu.memory_space<hbm>>) dst(%arg6 : memref<4096xi32, #tpu.memory_space<vmem>>)
      tpu.yield
    }) : () -> ()
    %dma_start3A_123 = arith.constant 0 : i32
    %dma_start3A_124 = tpu.memref_slice %arg2[%dma_start3A_123] : memref<16777216xi32, #tpu.memory_space<hbm>> -> memref<16777216xi32, #tpu.memory_space<hbm>>
    tpu.enqueue_indirect_dma source(%dma_start3A_124 : memref<16777216xi32, #tpu.memory_space<hbm>>) target(%arg8 : memref<4096xi32, #tpu.memory_space<vmem>>) offsets(%arg6 : memref<4096xi32, #tpu.memory_space<vmem>>) semaphore(%arg11 : memref<!tpu.dma_semaphore, #tpu.memory_space<semaphore_mem>>)
    %dma_wait3A_125 = arith.constant 0 : i32
    %dma_wait3A_126 = tpu.memref_slice %arg2[%dma_wait3A_125] : memref<16777216xi32, #tpu.memory_space<hbm>> -> memref<16777216xi32, #tpu.memory_space<hbm>>
    tpu.wait_indirect_dma semaphore(%arg10 : memref<!tpu.dma_semaphore, #tpu.memory_space<semaphore_mem>>) src(%dma_wait3A_126 : memref<16777216xi32, #tpu.memory_space<hbm>>) dst(%arg7 : memref<4096xi32, #tpu.memory_space<vmem>>)
    %scan3A_127 = arith.constant -65536 : i32
    %scan3A_128 = arith.constant 16 : i32
    %scan3A_129 = arith.constant 0 : i32
    %scan3A_130 = arith.constant 256 : i32
    %scan3A_131 = arith.addi %scan3A_129, %scan3A_130 : i32
    %scan3A_132 = arith.constant 1 : i32
    %scan3A_133:5 = scf.for %scan3A_216 = %scan3A_129 to %scan3A_131 step %scan3A_132 iter_args(%scan3A_217 = %scan3A_119#0, %scan3A_218 = %scan3A_119#1, %scan3A_219 = %scan3A_119#2, %scan3A_220 = %scan3A_119#3, %scan3A_221 = %scan3A_119#4) -> (vector<16xf32>, vector<16xf32>, vector<16xf32>, vector<16xf32>, vector<16xf32>)  : i32 {
      %mul3A_222 = arith.constant 16 : i32
      %mul3A_223 = arith.muli %scan3A_216, %mul3A_222 : i32
      %get3A = arith.index_cast %mul3A_223 : i32 to index
      %get3A_224 = tpu.vector_load %arg7[%get3A] {strides = array<i32>} : memref<4096xi32, #tpu.memory_space<vmem>>, vector<16xi32>,
      %get3A_225 = vector.shape_cast %get3A_224 : vector<16xi32> to vector<16xi32>
      %bitcast_convert_type3A = tpu.bitcast %get3A_225 : vector<16xi32> -> vector<16xi32>
      %and3A = vector.broadcast %scan3A_127 : i32 to vector<16xi32>
      %and3A_226 = arith.andi %bitcast_convert_type3A, %and3A : vector<16xi32>
      %bitcast_convert_type3A_227 = tpu.bitcast %and3A_226 : vector<16xi32> -> vector<16xf32>
      %shift_left3A = vector.broadcast %scan3A_128 : i32 to vector<16xi32>
      %shift_left3A_228 = arith.shli %bitcast_convert_type3A, %shift_left3A : vector<16xi32>
      %bitcast_convert_type3A_229 = tpu.bitcast %shift_left3A_228 : vector<16xi32> -> vector<16xf32>
      %add3A_230 = arith.addf %scan3A_217, %bitcast_convert_type3A_229 : vector<16xf32>
      %add3A_231 = arith.addf %scan3A_218, %bitcast_convert_type3A_227 : vector<16xf32>
      %mul3A_232 = arith.mulf %bitcast_convert_type3A_229, %bitcast_convert_type3A_229 : vector<16xf32>
      %add3A_233 = arith.addf %scan3A_219, %mul3A_232 : vector<16xf32>
      %mul3A_234 = arith.mulf %bitcast_convert_type3A_229, %bitcast_convert_type3A_227 : vector<16xf32>
      %add3A_235 = arith.addf %scan3A_220, %mul3A_234 : vector<16xf32>
      %mul3A_236 = arith.mulf %bitcast_convert_type3A_227, %bitcast_convert_type3A_227 : vector<16xf32>
      %add3A_237 = arith.addf %scan3A_221, %mul3A_236 : vector<16xf32>
      scf.yield %add3A_230, %add3A_231, %add3A_233, %add3A_235, %add3A_237 : vector<16xf32>, vector<16xf32>, vector<16xf32>, vector<16xf32>, vector<16xf32>
    }
    %scan3A_134 = arith.constant 256 : i32
    %add3A_135 = arith.constant 40960 : i32
    %add3A_136 = arith.addi %mul3A_2, %add3A_135 : i32
    "tpu.region"() ({
      %run_scoped3A = tpu.sem_alloc : memref<!tpu.dma_semaphore, #tpu.memory_space<semaphore_mem>>
      %dma_start3A_216 = tpu.memref_slice %arg3[%add3A_136] : memref<1703936xi32, #tpu.memory_space<hbm>> -> memref<4096xi32, #tpu.memory_space<hbm>>
      %dma_start3A_217 = tpu.memref_slice %arg3[%add3A_136] : memref<1703936xi32, #tpu.memory_space<hbm>> -> memref<4096xi32, #tpu.memory_space<hbm>>
      tpu.enqueue_dma source(%dma_start3A_217 : memref<4096xi32, #tpu.memory_space<hbm>>) target(%arg5 : memref<4096xi32, #tpu.memory_space<vmem>>) target_semaphore(%run_scoped3A : memref<!tpu.dma_semaphore, #tpu.memory_space<semaphore_mem>>)
      %dma_wait3A_218 = tpu.memref_slice %arg3[%add3A_136] : memref<1703936xi32, #tpu.memory_space<hbm>> -> memref<4096xi32, #tpu.memory_space<hbm>>
      %dma_wait3A_219 = tpu.memref_slice %arg3[%add3A_136] : memref<1703936xi32, #tpu.memory_space<hbm>> -> memref<4096xi32, #tpu.memory_space<hbm>>
      tpu.wait_dma2 semaphore(%run_scoped3A : memref<!tpu.dma_semaphore, #tpu.memory_space<semaphore_mem>>) src(%dma_wait3A_219 : memref<4096xi32, #tpu.memory_space<hbm>>) dst(%arg5 : memref<4096xi32, #tpu.memory_space<vmem>>)
      tpu.yield
    }) : () -> ()
    %dma_start3A_137 = arith.constant 0 : i32
    %dma_start3A_138 = tpu.memref_slice %arg2[%dma_start3A_137] : memref<16777216xi32, #tpu.memory_space<hbm>> -> memref<16777216xi32, #tpu.memory_space<hbm>>
    tpu.enqueue_indirect_dma source(%dma_start3A_138 : memref<16777216xi32, #tpu.memory_space<hbm>>) target(%arg7 : memref<4096xi32, #tpu.memory_space<vmem>>) offsets(%arg5 : memref<4096xi32, #tpu.memory_space<vmem>>) semaphore(%arg10 : memref<!tpu.dma_semaphore, #tpu.memory_space<semaphore_mem>>)
    %dma_wait3A_139 = arith.constant 0 : i32
    %dma_wait3A_140 = tpu.memref_slice %arg2[%dma_wait3A_139] : memref<16777216xi32, #tpu.memory_space<hbm>> -> memref<16777216xi32, #tpu.memory_space<hbm>>
    tpu.wait_indirect_dma semaphore(%arg11 : memref<!tpu.dma_semaphore, #tpu.memory_space<semaphore_mem>>) src(%dma_wait3A_140 : memref<16777216xi32, #tpu.memory_space<hbm>>) dst(%arg8 : memref<4096xi32, #tpu.memory_space<vmem>>)
    %scan3A_141 = arith.constant -65536 : i32
    %scan3A_142 = arith.constant 16 : i32
    %scan3A_143 = arith.constant 0 : i32
    %scan3A_144 = arith.constant 256 : i32
    %scan3A_145 = arith.addi %scan3A_143, %scan3A_144 : i32
    %scan3A_146 = arith.constant 1 : i32
    %scan3A_147:5 = scf.for %scan3A_216 = %scan3A_143 to %scan3A_145 step %scan3A_146 iter_args(%scan3A_217 = %scan3A_133#0, %scan3A_218 = %scan3A_133#1, %scan3A_219 = %scan3A_133#2, %scan3A_220 = %scan3A_133#3, %scan3A_221 = %scan3A_133#4) -> (vector<16xf32>, vector<16xf32>, vector<16xf32>, vector<16xf32>, vector<16xf32>)  : i32 {
      %mul3A_222 = arith.constant 16 : i32
      %mul3A_223 = arith.muli %scan3A_216, %mul3A_222 : i32
      %get3A = arith.index_cast %mul3A_223 : i32 to index
      %get3A_224 = tpu.vector_load %arg8[%get3A] {strides = array<i32>} : memref<4096xi32, #tpu.memory_space<vmem>>, vector<16xi32>,
      %get3A_225 = vector.shape_cast %get3A_224 : vector<16xi32> to vector<16xi32>
      %bitcast_convert_type3A = tpu.bitcast %get3A_225 : vector<16xi32> -> vector<16xi32>
      %and3A = vector.broadcast %scan3A_141 : i32 to vector<16xi32>
      %and3A_226 = arith.andi %bitcast_convert_type3A, %and3A : vector<16xi32>
      %bitcast_convert_type3A_227 = tpu.bitcast %and3A_226 : vector<16xi32> -> vector<16xf32>
      %shift_left3A = vector.broadcast %scan3A_142 : i32 to vector<16xi32>
      %shift_left3A_228 = arith.shli %bitcast_convert_type3A, %shift_left3A : vector<16xi32>
      %bitcast_convert_type3A_229 = tpu.bitcast %shift_left3A_228 : vector<16xi32> -> vector<16xf32>
      %add3A_230 = arith.addf %scan3A_217, %bitcast_convert_type3A_229 : vector<16xf32>
      %add3A_231 = arith.addf %scan3A_218, %bitcast_convert_type3A_227 : vector<16xf32>
      %mul3A_232 = arith.mulf %bitcast_convert_type3A_229, %bitcast_convert_type3A_229 : vector<16xf32>
      %add3A_233 = arith.addf %scan3A_219, %mul3A_232 : vector<16xf32>
      %mul3A_234 = arith.mulf %bitcast_convert_type3A_229, %bitcast_convert_type3A_227 : vector<16xf32>
      %add3A_235 = arith.addf %scan3A_220, %mul3A_234 : vector<16xf32>
      %mul3A_236 = arith.mulf %bitcast_convert_type3A_227, %bitcast_convert_type3A_227 : vector<16xf32>
      %add3A_237 = arith.addf %scan3A_221, %mul3A_236 : vector<16xf32>
      scf.yield %add3A_230, %add3A_231, %add3A_233, %add3A_235, %add3A_237 : vector<16xf32>, vector<16xf32>, vector<16xf32>, vector<16xf32>, vector<16xf32>
    }
    %scan3A_148 = arith.constant 256 : i32
    %add3A_149 = arith.constant 45056 : i32
    %add3A_150 = arith.addi %mul3A_2, %add3A_149 : i32
    "tpu.region"() ({
      %run_scoped3A = tpu.sem_alloc : memref<!tpu.dma_semaphore, #tpu.memory_space<semaphore_mem>>
      %dma_start3A_216 = tpu.memref_slice %arg3[%add3A_150] : memref<1703936xi32, #tpu.memory_space<hbm>> -> memref<4096xi32, #tpu.memory_space<hbm>>
      %dma_start3A_217 = tpu.memref_slice %arg3[%add3A_150] : memref<1703936xi32, #tpu.memory_space<hbm>> -> memref<4096xi32, #tpu.memory_space<hbm>>
      tpu.enqueue_dma source(%dma_start3A_217 : memref<4096xi32, #tpu.memory_space<hbm>>) target(%arg6 : memref<4096xi32, #tpu.memory_space<vmem>>) target_semaphore(%run_scoped3A : memref<!tpu.dma_semaphore, #tpu.memory_space<semaphore_mem>>)
      %dma_wait3A_218 = tpu.memref_slice %arg3[%add3A_150] : memref<1703936xi32, #tpu.memory_space<hbm>> -> memref<4096xi32, #tpu.memory_space<hbm>>
      %dma_wait3A_219 = tpu.memref_slice %arg3[%add3A_150] : memref<1703936xi32, #tpu.memory_space<hbm>> -> memref<4096xi32, #tpu.memory_space<hbm>>
      tpu.wait_dma2 semaphore(%run_scoped3A : memref<!tpu.dma_semaphore, #tpu.memory_space<semaphore_mem>>) src(%dma_wait3A_219 : memref<4096xi32, #tpu.memory_space<hbm>>) dst(%arg6 : memref<4096xi32, #tpu.memory_space<vmem>>)
      tpu.yield
    }) : () -> ()
    %dma_start3A_151 = arith.constant 0 : i32
    %dma_start3A_152 = tpu.memref_slice %arg2[%dma_start3A_151] : memref<16777216xi32, #tpu.memory_space<hbm>> -> memref<16777216xi32, #tpu.memory_space<hbm>>
    tpu.enqueue_indirect_dma source(%dma_start3A_152 : memref<16777216xi32, #tpu.memory_space<hbm>>) target(%arg8 : memref<4096xi32, #tpu.memory_space<vmem>>) offsets(%arg6 : memref<4096xi32, #tpu.memory_space<vmem>>) semaphore(%arg11 : memref<!tpu.dma_semaphore, #tpu.memory_space<semaphore_mem>>)
    %dma_wait3A_153 = arith.constant 0 : i32
    %dma_wait3A_154 = tpu.memref_slice %arg2[%dma_wait3A_153] : memref<16777216xi32, #tpu.memory_space<hbm>> -> memref<16777216xi32, #tpu.memory_space<hbm>>
    tpu.wait_indirect_dma semaphore(%arg10 : memref<!tpu.dma_semaphore, #tpu.memory_space<semaphore_mem>>) src(%dma_wait3A_154 : memref<16777216xi32, #tpu.memory_space<hbm>>) dst(%arg7 : memref<4096xi32, #tpu.memory_space<vmem>>)
    %scan3A_155 = arith.constant -65536 : i32
    %scan3A_156 = arith.constant 16 : i32
    %scan3A_157 = arith.constant 0 : i32
    %scan3A_158 = arith.constant 256 : i32
    %scan3A_159 = arith.addi %scan3A_157, %scan3A_158 : i32
    %scan3A_160 = arith.constant 1 : i32
    %scan3A_161:5 = scf.for %scan3A_216 = %scan3A_157 to %scan3A_159 step %scan3A_160 iter_args(%scan3A_217 = %scan3A_147#0, %scan3A_218 = %scan3A_147#1, %scan3A_219 = %scan3A_147#2, %scan3A_220 = %scan3A_147#3, %scan3A_221 = %scan3A_147#4) -> (vector<16xf32>, vector<16xf32>, vector<16xf32>, vector<16xf32>, vector<16xf32>)  : i32 {
      %mul3A_222 = arith.constant 16 : i32
      %mul3A_223 = arith.muli %scan3A_216, %mul3A_222 : i32
      %get3A = arith.index_cast %mul3A_223 : i32 to index
      %get3A_224 = tpu.vector_load %arg7[%get3A] {strides = array<i32>} : memref<4096xi32, #tpu.memory_space<vmem>>, vector<16xi32>,
      %get3A_225 = vector.shape_cast %get3A_224 : vector<16xi32> to vector<16xi32>
      %bitcast_convert_type3A = tpu.bitcast %get3A_225 : vector<16xi32> -> vector<16xi32>
      %and3A = vector.broadcast %scan3A_155 : i32 to vector<16xi32>
      %and3A_226 = arith.andi %bitcast_convert_type3A, %and3A : vector<16xi32>
      %bitcast_convert_type3A_227 = tpu.bitcast %and3A_226 : vector<16xi32> -> vector<16xf32>
      %shift_left3A = vector.broadcast %scan3A_156 : i32 to vector<16xi32>
      %shift_left3A_228 = arith.shli %bitcast_convert_type3A, %shift_left3A : vector<16xi32>
      %bitcast_convert_type3A_229 = tpu.bitcast %shift_left3A_228 : vector<16xi32> -> vector<16xf32>
      %add3A_230 = arith.addf %scan3A_217, %bitcast_convert_type3A_229 : vector<16xf32>
      %add3A_231 = arith.addf %scan3A_218, %bitcast_convert_type3A_227 : vector<16xf32>
      %mul3A_232 = arith.mulf %bitcast_convert_type3A_229, %bitcast_convert_type3A_229 : vector<16xf32>
      %add3A_233 = arith.addf %scan3A_219, %mul3A_232 : vector<16xf32>
      %mul3A_234 = arith.mulf %bitcast_convert_type3A_229, %bitcast_convert_type3A_227 : vector<16xf32>
      %add3A_235 = arith.addf %scan3A_220, %mul3A_234 : vector<16xf32>
      %mul3A_236 = arith.mulf %bitcast_convert_type3A_227, %bitcast_convert_type3A_227 : vector<16xf32>
      %add3A_237 = arith.addf %scan3A_221, %mul3A_236 : vector<16xf32>
      scf.yield %add3A_230, %add3A_231, %add3A_233, %add3A_235, %add3A_237 : vector<16xf32>, vector<16xf32>, vector<16xf32>, vector<16xf32>, vector<16xf32>
    }
    %scan3A_162 = arith.constant 256 : i32
    %add3A_163 = arith.constant 49152 : i32
    %add3A_164 = arith.addi %mul3A_2, %add3A_163 : i32
    "tpu.region"() ({
      %run_scoped3A = tpu.sem_alloc : memref<!tpu.dma_semaphore, #tpu.memory_space<semaphore_mem>>
      %dma_start3A_216 = tpu.memref_slice %arg3[%add3A_164] : memref<1703936xi32, #tpu.memory_space<hbm>> -> memref<4096xi32, #tpu.memory_space<hbm>>
      %dma_start3A_217 = tpu.memref_slice %arg3[%add3A_164] : memref<1703936xi32, #tpu.memory_space<hbm>> -> memref<4096xi32, #tpu.memory_space<hbm>>
      tpu.enqueue_dma source(%dma_start3A_217 : memref<4096xi32, #tpu.memory_space<hbm>>) target(%arg5 : memref<4096xi32, #tpu.memory_space<vmem>>) target_semaphore(%run_scoped3A : memref<!tpu.dma_semaphore, #tpu.memory_space<semaphore_mem>>)
      %dma_wait3A_218 = tpu.memref_slice %arg3[%add3A_164] : memref<1703936xi32, #tpu.memory_space<hbm>> -> memref<4096xi32, #tpu.memory_space<hbm>>
      %dma_wait3A_219 = tpu.memref_slice %arg3[%add3A_164] : memref<1703936xi32, #tpu.memory_space<hbm>> -> memref<4096xi32, #tpu.memory_space<hbm>>
      tpu.wait_dma2 semaphore(%run_scoped3A : memref<!tpu.dma_semaphore, #tpu.memory_space<semaphore_mem>>) src(%dma_wait3A_219 : memref<4096xi32, #tpu.memory_space<hbm>>) dst(%arg5 : memref<4096xi32, #tpu.memory_space<vmem>>)
      tpu.yield
    }) : () -> ()
    %dma_start3A_165 = arith.constant 0 : i32
    %dma_start3A_166 = tpu.memref_slice %arg2[%dma_start3A_165] : memref<16777216xi32, #tpu.memory_space<hbm>> -> memref<16777216xi32, #tpu.memory_space<hbm>>
    tpu.enqueue_indirect_dma source(%dma_start3A_166 : memref<16777216xi32, #tpu.memory_space<hbm>>) target(%arg7 : memref<4096xi32, #tpu.memory_space<vmem>>) offsets(%arg5 : memref<4096xi32, #tpu.memory_space<vmem>>) semaphore(%arg10 : memref<!tpu.dma_semaphore, #tpu.memory_space<semaphore_mem>>)
    %dma_wait3A_167 = arith.constant 0 : i32
    %dma_wait3A_168 = tpu.memref_slice %arg2[%dma_wait3A_167] : memref<16777216xi32, #tpu.memory_space<hbm>> -> memref<16777216xi32, #tpu.memory_space<hbm>>
    tpu.wait_indirect_dma semaphore(%arg11 : memref<!tpu.dma_semaphore, #tpu.memory_space<semaphore_mem>>) src(%dma_wait3A_168 : memref<16777216xi32, #tpu.memory_space<hbm>>) dst(%arg8 : memref<4096xi32, #tpu.memory_space<vmem>>)
    %scan3A_169 = arith.constant -65536 : i32
    %scan3A_170 = arith.constant 16 : i32
    %scan3A_171 = arith.constant 0 : i32
    %scan3A_172 = arith.constant 256 : i32
    %scan3A_173 = arith.addi %scan3A_171, %scan3A_172 : i32
    %scan3A_174 = arith.constant 1 : i32
    %scan3A_175:5 = scf.for %scan3A_216 = %scan3A_171 to %scan3A_173 step %scan3A_174 iter_args(%scan3A_217 = %scan3A_161#0, %scan3A_218 = %scan3A_161#1, %scan3A_219 = %scan3A_161#2, %scan3A_220 = %scan3A_161#3, %scan3A_221 = %scan3A_161#4) -> (vector<16xf32>, vector<16xf32>, vector<16xf32>, vector<16xf32>, vector<16xf32>)  : i32 {
      %mul3A_222 = arith.constant 16 : i32
      %mul3A_223 = arith.muli %scan3A_216, %mul3A_222 : i32
      %get3A = arith.index_cast %mul3A_223 : i32 to index
      %get3A_224 = tpu.vector_load %arg8[%get3A] {strides = array<i32>} : memref<4096xi32, #tpu.memory_space<vmem>>, vector<16xi32>,
      %get3A_225 = vector.shape_cast %get3A_224 : vector<16xi32> to vector<16xi32>
      %bitcast_convert_type3A = tpu.bitcast %get3A_225 : vector<16xi32> -> vector<16xi32>
      %and3A = vector.broadcast %scan3A_169 : i32 to vector<16xi32>
      %and3A_226 = arith.andi %bitcast_convert_type3A, %and3A : vector<16xi32>
      %bitcast_convert_type3A_227 = tpu.bitcast %and3A_226 : vector<16xi32> -> vector<16xf32>
      %shift_left3A = vector.broadcast %scan3A_170 : i32 to vector<16xi32>
      %shift_left3A_228 = arith.shli %bitcast_convert_type3A, %shift_left3A : vector<16xi32>
      %bitcast_convert_type3A_229 = tpu.bitcast %shift_left3A_228 : vector<16xi32> -> vector<16xf32>
      %add3A_230 = arith.addf %scan3A_217, %bitcast_convert_type3A_229 : vector<16xf32>
      %add3A_231 = arith.addf %scan3A_218, %bitcast_convert_type3A_227 : vector<16xf32>
      %mul3A_232 = arith.mulf %bitcast_convert_type3A_229, %bitcast_convert_type3A_229 : vector<16xf32>
      %add3A_233 = arith.addf %scan3A_219, %mul3A_232 : vector<16xf32>
      %mul3A_234 = arith.mulf %bitcast_convert_type3A_229, %bitcast_convert_type3A_227 : vector<16xf32>
      %add3A_235 = arith.addf %scan3A_220, %mul3A_234 : vector<16xf32>
      %mul3A_236 = arith.mulf %bitcast_convert_type3A_227, %bitcast_convert_type3A_227 : vector<16xf32>
      %add3A_237 = arith.addf %scan3A_221, %mul3A_236 : vector<16xf32>
      scf.yield %add3A_230, %add3A_231, %add3A_233, %add3A_235, %add3A_237 : vector<16xf32>, vector<16xf32>, vector<16xf32>, vector<16xf32>, vector<16xf32>
    }
    %scan3A_176 = arith.constant 256 : i32
    %dma_wait3A_177 = arith.constant 0 : i32
    %dma_wait3A_178 = tpu.memref_slice %arg2[%dma_wait3A_177] : memref<16777216xi32, #tpu.memory_space<hbm>> -> memref<16777216xi32, #tpu.memory_space<hbm>>
    tpu.wait_indirect_dma semaphore(%arg10 : memref<!tpu.dma_semaphore, #tpu.memory_space<semaphore_mem>>) src(%dma_wait3A_178 : memref<16777216xi32, #tpu.memory_space<hbm>>) dst(%arg7 : memref<4096xi32, #tpu.memory_space<vmem>>)
    %scan3A_179 = arith.constant -65536 : i32
    %scan3A_180 = arith.constant 16 : i32
    %scan3A_181 = arith.constant 0 : i32
    %scan3A_182 = arith.constant 256 : i32
    %scan3A_183 = arith.addi %scan3A_181, %scan3A_182 : i32
    %scan3A_184 = arith.constant 1 : i32
    %scan3A_185:5 = scf.for %scan3A_216 = %scan3A_181 to %scan3A_183 step %scan3A_184 iter_args(%scan3A_217 = %scan3A_175#0, %scan3A_218 = %scan3A_175#1, %scan3A_219 = %scan3A_175#2, %scan3A_220 = %scan3A_175#3, %scan3A_221 = %scan3A_175#4) -> (vector<16xf32>, vector<16xf32>, vector<16xf32>, vector<16xf32>, vector<16xf32>)  : i32 {
      %mul3A_222 = arith.constant 16 : i32
      %mul3A_223 = arith.muli %scan3A_216, %mul3A_222 : i32
      %get3A = arith.index_cast %mul3A_223 : i32 to index
      %get3A_224 = tpu.vector_load %arg7[%get3A] {strides = array<i32>} : memref<4096xi32, #tpu.memory_space<vmem>>, vector<16xi32>,
      %get3A_225 = vector.shape_cast %get3A_224 : vector<16xi32> to vector<16xi32>
      %bitcast_convert_type3A = tpu.bitcast %get3A_225 : vector<16xi32> -> vector<16xi32>
      %and3A = vector.broadcast %scan3A_179 : i32 to vector<16xi32>
      %and3A_226 = arith.andi %bitcast_convert_type3A, %and3A : vector<16xi32>
      %bitcast_convert_type3A_227 = tpu.bitcast %and3A_226 : vector<16xi32> -> vector<16xf32>
      %shift_left3A = vector.broadcast %scan3A_180 : i32 to vector<16xi32>
      %shift_left3A_228 = arith.shli %bitcast_convert_type3A, %shift_left3A : vector<16xi32>
      %bitcast_convert_type3A_229 = tpu.bitcast %shift_left3A_228 : vector<16xi32> -> vector<16xf32>
      %mul3A_230 = arith.constant 16 : i32
      %mul3A_231 = arith.muli %scan3A_216, %mul3A_230 : i32
      %add3A_232 = arith.constant 49152 : i32
      %add3A_233 = arith.addi %add3A_232, %mul3A_231 : i32
      %add3A_234 = vector.broadcast %add3A_233 : i32 to vector<16xi32>
      %add3A_235 = arith.addi %add3A_234, %iota3A : vector<16xi32>
      %lt3A_236 = vector.broadcast %add3A_7 : i32 to vector<16xi32>
      %lt3A_237 = arith.cmpi slt, %add3A_235, %lt3A_236 : vector<16xi32>
      %jit3A_238 = arith.constant 1.000000e+00 : f32
      %jit3A_239 = arith.constant 0.000000e+00 : f32
      %broadcast_in_dim3A_240 = vector.broadcast %jit3A_238 : f32 to vector<16xf32>
      %broadcast_in_dim3A_241 = vector.broadcast %jit3A_239 : f32 to vector<16xf32>
      %select_n3A_242 = arith.select %lt3A_237, %broadcast_in_dim3A_240, %broadcast_in_dim3A_241 : vector<16xi1>, vector<16xf32>
      %mul3A_243 = arith.mulf %bitcast_convert_type3A_229, %select_n3A_242 : vector<16xf32>
      %mul3A_244 = arith.mulf %bitcast_convert_type3A_227, %select_n3A_242 : vector<16xf32>
      %add3A_245 = arith.addf %scan3A_217, %mul3A_243 : vector<16xf32>
      %add3A_246 = arith.addf %scan3A_218, %mul3A_244 : vector<16xf32>
      %mul3A_247 = arith.mulf %mul3A_243, %mul3A_243 : vector<16xf32>
      %add3A_248 = arith.addf %scan3A_219, %mul3A_247 : vector<16xf32>
      %mul3A_249 = arith.mulf %mul3A_243, %mul3A_244 : vector<16xf32>
      %add3A_250 = arith.addf %scan3A_220, %mul3A_249 : vector<16xf32>
      %mul3A_251 = arith.mulf %mul3A_244, %mul3A_244 : vector<16xf32>
      %add3A_252 = arith.addf %scan3A_221, %mul3A_251 : vector<16xf32>
      scf.yield %add3A_245, %add3A_246, %add3A_248, %add3A_250, %add3A_252 : vector<16xf32>, vector<16xf32>, vector<16xf32>, vector<16xf32>, vector<16xf32>
    }
    %scan3A_186 = arith.constant 256 : i32
    %swap3A = arith.constant 0 : i32
    %swap3A_187 = arith.index_cast %swap3A : i32 to index
    %swap3A_188 = arith.constant 0 : index
    %swap3A_189 = tpu.vector_load %arg9[%swap3A_187, %swap3A_188] {strides = array<i32>} : memref<5x16xf32, #tpu.memory_space<vmem>>, vector<1x16xf32>,
    %swap3A_190 = vector.shape_cast %swap3A_189 : vector<1x16xf32> to vector<16xf32>
    %swap3A_191 = vector.shape_cast %scan3A_185#0 : vector<16xf32> to vector<1x16xf32>
    tpu.vector_store %arg9[%swap3A_187, %swap3A_188], %swap3A_191 {strides = array<i32>} : memref<5x16xf32, #tpu.memory_space<vmem>>, vector<1x16xf32>,
    %swap3A_192 = arith.constant 1 : i32
    %swap3A_193 = arith.index_cast %swap3A_192 : i32 to index
    %swap3A_194 = arith.constant 0 : index
    %swap3A_195 = tpu.vector_load %arg9[%swap3A_193, %swap3A_194] {strides = array<i32>} : memref<5x16xf32, #tpu.memory_space<vmem>>, vector<1x16xf32>,
    %swap3A_196 = vector.shape_cast %swap3A_195 : vector<1x16xf32> to vector<16xf32>
    %swap3A_197 = vector.shape_cast %scan3A_185#1 : vector<16xf32> to vector<1x16xf32>
    tpu.vector_store %arg9[%swap3A_193, %swap3A_194], %swap3A_197 {strides = array<i32>} : memref<5x16xf32, #tpu.memory_space<vmem>>, vector<1x16xf32>,
    %swap3A_198 = arith.constant 2 : i32
    %swap3A_199 = arith.index_cast %swap3A_198 : i32 to index
    %swap3A_200 = arith.constant 0 : index
    %swap3A_201 = tpu.vector_load %arg9[%swap3A_199, %swap3A_200] {strides = array<i32>} : memref<5x16xf32, #tpu.memory_space<vmem>>, vector<1x16xf32>,
    %swap3A_202 = vector.shape_cast %swap3A_201 : vector<1x16xf32> to vector<16xf32>
    %swap3A_203 = vector.shape_cast %scan3A_185#2 : vector<16xf32> to vector<1x16xf32>
    tpu.vector_store %arg9[%swap3A_199, %swap3A_200], %swap3A_203 {strides = array<i32>} : memref<5x16xf32, #tpu.memory_space<vmem>>, vector<1x16xf32>,
    %swap3A_204 = arith.constant 3 : i32
    %swap3A_205 = arith.index_cast %swap3A_204 : i32 to index
    %swap3A_206 = arith.constant 0 : index
    %swap3A_207 = tpu.vector_load %arg9[%swap3A_205, %swap3A_206] {strides = array<i32>} : memref<5x16xf32, #tpu.memory_space<vmem>>, vector<1x16xf32>,
    %swap3A_208 = vector.shape_cast %swap3A_207 : vector<1x16xf32> to vector<16xf32>
    %swap3A_209 = vector.shape_cast %scan3A_185#3 : vector<16xf32> to vector<1x16xf32>
    tpu.vector_store %arg9[%swap3A_205, %swap3A_206], %swap3A_209 {strides = array<i32>} : memref<5x16xf32, #tpu.memory_space<vmem>>, vector<1x16xf32>,
    %swap3A_210 = arith.constant 4 : i32
    %swap3A_211 = arith.index_cast %swap3A_210 : i32 to index
    %swap3A_212 = arith.constant 0 : index
    %swap3A_213 = tpu.vector_load %arg9[%swap3A_211, %swap3A_212] {strides = array<i32>} : memref<5x16xf32, #tpu.memory_space<vmem>>, vector<1x16xf32>,
    %swap3A_214 = vector.shape_cast %swap3A_213 : vector<1x16xf32> to vector<16xf32>
    %swap3A_215 = vector.shape_cast %scan3A_185#4 : vector<16xf32> to vector<1x16xf32>
    tpu.vector_store %arg9[%swap3A_211, %swap3A_212], %swap3A_215 {strides = array<i32>} : memref<5x16xf32, #tpu.memory_space<vmem>>, vector<1x16xf32>,
    "tpu.region"() ({
      %run_scoped3A = tpu.sem_alloc : memref<!tpu.dma_semaphore, #tpu.memory_space<semaphore_mem>>
      %dma_start3A_216 = arith.constant 0 : i32
      %dma_start3A_217 = arith.constant 0 : i32
      %dma_start3A_218 = tpu.memref_slice %arg4[%add3A, %dma_start3A_216, %dma_start3A_217] : memref<32x5x16xf32, #tpu.memory_space<hbm>> -> memref<1x5x16xf32, #tpu.memory_space<hbm>>
      %dma_start3A_219 = tpu.memref_squeeze %dma_start3A_218 : memref<1x5x16xf32, #tpu.memory_space<hbm>> -> memref<5x16xf32, #tpu.memory_space<hbm>>
      %dma_start3A_220 = arith.constant 0 : i32
      %dma_start3A_221 = arith.constant 0 : i32
      %dma_start3A_222 = tpu.memref_slice %arg4[%add3A, %dma_start3A_220, %dma_start3A_221] : memref<32x5x16xf32, #tpu.memory_space<hbm>> -> memref<1x5x16xf32, #tpu.memory_space<hbm>>
      %dma_start3A_223 = tpu.memref_squeeze %dma_start3A_222 : memref<1x5x16xf32, #tpu.memory_space<hbm>> -> memref<5x16xf32, #tpu.memory_space<hbm>>
      tpu.enqueue_dma source(%arg9 : memref<5x16xf32, #tpu.memory_space<vmem>>) target(%dma_start3A_223 : memref<5x16xf32, #tpu.memory_space<hbm>>) target_semaphore(%run_scoped3A : memref<!tpu.dma_semaphore, #tpu.memory_space<semaphore_mem>>)
      %dma_wait3A_224 = arith.constant 0 : i32
      %dma_wait3A_225 = arith.constant 0 : i32
      %dma_wait3A_226 = tpu.memref_slice %arg4[%add3A, %dma_wait3A_224, %dma_wait3A_225] : memref<32x5x16xf32, #tpu.memory_space<hbm>> -> memref<1x5x16xf32, #tpu.memory_space<hbm>>
      %dma_wait3A_227 = tpu.memref_squeeze %dma_wait3A_226 : memref<1x5x16xf32, #tpu.memory_space<hbm>> -> memref<5x16xf32, #tpu.memory_space<hbm>>
      %dma_wait3A_228 = arith.constant 0 : i32
      %dma_wait3A_229 = arith.constant 0 : i32
      %dma_wait3A_230 = tpu.memref_slice %arg4[%add3A, %dma_wait3A_228, %dma_wait3A_229] : memref<32x5x16xf32, #tpu.memory_space<hbm>> -> memref<1x5x16xf32, #tpu.memory_space<hbm>>
      %dma_wait3A_231 = tpu.memref_squeeze %dma_wait3A_230 : memref<1x5x16xf32, #tpu.memory_space<hbm>> -> memref<5x16xf32, #tpu.memory_space<hbm>>
      tpu.wait_dma2 semaphore(%run_scoped3A : memref<!tpu.dma_semaphore, #tpu.memory_space<semaphore_mem>>) src(%arg9 : memref<5x16xf32, #tpu.memory_space<vmem>>) dst(%dma_wait3A_231 : memref<5x16xf32, #tpu.memory_space<hbm>>)
      tpu.yield
    }) : () -> ()
    return
  }
}

module attributes {stable_mosaic.version = 14 : i64} {
  func.func @_tc_pack_body(%arg0: i32, %arg1: memref<256x64xf32, #tpu.memory_space<vmem>>, %arg2: memref<4096x64xf32, #tpu.memory_space<vmem>>, %arg3: memref<256x33xf32, #tpu.memory_space<vmem>>, %arg4: memref<4096x33xf32, #tpu.memory_space<vmem>>, %arg5: memref<1048576xi32, #tpu.memory_space<vmem>>) attributes {dimension_semantics = [#tpu.dimension_semantics<arbitrary>], iteration_bounds = array<i64: 16>, scalar_prefetch = 0 : i64, scratch_operands = 0 : i64, tpu.core_type = #tpu.core_type<tc>, window_params = [{transform_indices = @transform_0, window_bounds = array<i64: 256, 64>}, {pipeline_mode = #tpu.pipeline_mode<synchronous>, transform_indices = @transform_1, window_bounds = array<i64: 4096, 64>}, {transform_indices = @transform_2, window_bounds = array<i64: 256, 33>}, {pipeline_mode = #tpu.pipeline_mode<synchronous>, transform_indices = @transform_3, window_bounds = array<i64: 4096, 33>}, {transform_indices = @transform_4, window_bounds = array<i64: 1048576>}]} {
    %get3A = arith.constant 0 : index
    %get3A_0 = arith.constant 0 : index
    %get3A_1 = vector.load %arg1[%get3A, %get3A_0] : memref<256x64xf32, #tpu.memory_space<vmem>>, vector<256x64xf32>
    %get3A_2 = arith.constant 0 : index
    %get3A_3 = arith.constant 0 : index
    %get3A_4 = vector.load %arg2[%get3A_2, %get3A_3] : memref<4096x64xf32, #tpu.memory_space<vmem>>, vector<4096x64xf32>
    %dot_general3A = arith.constant dense<0.000000e+00> : vector<256x4096xf32>
    %dot_general3A_5 = tpu.matmul %get3A_1, %get3A_4, %dot_general3A {dimension_numbers = #tpu.dot_dimension_numbers<[1], [1], [0], [0], [0, 0, 1, 0], [], []>, transpose_lhs_hint = false} : vector<256x64xf32>, vector<4096x64xf32>, vector<256x4096xf32> -> vector<256x4096xf32>
    %sub3A = arith.constant 1.000000e+00 : f32
    %sub3A_6 = vector.broadcast %sub3A : f32 to vector<256x4096xf32>
    %sub3A_7 = arith.subf %sub3A_6, %dot_general3A_5 : vector<256x4096xf32>
    %get3A_8 = arith.constant 0 : index
    %get3A_9 = arith.constant 0 : index
    %get3A_10 = vector.load %arg3[%get3A_8, %get3A_9] : memref<256x33xf32, #tpu.memory_space<vmem>>, vector<256x33xf32>
    %get3A_11 = arith.constant 0 : index
    %get3A_12 = arith.constant 0 : index
    %get3A_13 = vector.load %arg4[%get3A_11, %get3A_12] : memref<4096x33xf32, #tpu.memory_space<vmem>>, vector<4096x33xf32>
    %dot_general3A_14 = arith.constant dense<0.000000e+00> : vector<256x4096xf32>
    %dot_general3A_15 = tpu.matmul %get3A_10, %get3A_13, %dot_general3A_14 {dimension_numbers = #tpu.dot_dimension_numbers<[1], [1], [0], [0], [0, 0, 1, 0], [], []>, transpose_lhs_hint = false} : vector<256x33xf32>, vector<4096x33xf32>, vector<256x4096xf32> -> vector<256x4096xf32>
    %neg3A = arith.constant 0.000000e+00 : f32
    %neg3A_16 = vector.broadcast %neg3A : f32 to vector<256x4096xf32>
    %neg3A_17 = arith.subf %neg3A_16, %dot_general3A_15 : vector<256x4096xf32>
    %max3A = arith.constant 1.000010e+00 : f32
    %max3A_18 = vector.broadcast %max3A : f32 to vector<256x4096xf32>
    %max3A_19 = arith.maximumf %neg3A_17, %max3A_18 : vector<256x4096xf32>
    %sub3A_20 = arith.constant 1.000000e+00 : f32
    %sub3A_21 = vector.broadcast %sub3A_20 : f32 to vector<256x4096xf32>
    %sub3A_22 = arith.subf %max3A_19, %sub3A_21 : vector<256x4096xf32>
    %add3A = arith.constant 1.000000e+00 : f32
    %add3A_23 = vector.broadcast %add3A : f32 to vector<256x4096xf32>
    %add3A_24 = arith.addf %max3A_19, %add3A_23 : vector<256x4096xf32>
    %mul3A = arith.mulf %sub3A_22, %add3A_24 : vector<256x4096xf32>
    %sqrt3A = math.sqrt %mul3A : vector<256x4096xf32>
    %add3A_25 = arith.addf %max3A_19, %sqrt3A : vector<256x4096xf32>
    %log3A = math.log %add3A_25 : vector<256x4096xf32>
    %bitcast_convert_type3A = tpu.bitcast %sub3A_7 : vector<256x4096xf32> -> vector<256x4096xi32>
    %add3A_26 = arith.constant 32768 : i32
    %add3A_27 = vector.broadcast %add3A_26 : i32 to vector<256x4096xi32>
    %add3A_28 = arith.addi %bitcast_convert_type3A, %add3A_27 : vector<256x4096xi32>
    %and3A = arith.constant -65536 : i32
    %and3A_29 = vector.broadcast %and3A : i32 to vector<256x4096xi32>
    %and3A_30 = arith.andi %add3A_28, %and3A_29 : vector<256x4096xi32>
    %bitcast_convert_type3A_31 = tpu.bitcast %log3A : vector<256x4096xf32> -> vector<256x4096xi32>
    %add3A_32 = arith.constant 32768 : i32
    %add3A_33 = vector.broadcast %add3A_32 : i32 to vector<256x4096xi32>
    %add3A_34 = arith.addi %bitcast_convert_type3A_31, %add3A_33 : vector<256x4096xi32>
    %shift_right_logical3A = arith.constant 16 : i32
    %shift_right_logical3A_35 = vector.broadcast %shift_right_logical3A : i32 to vector<256x4096xi32>
    %shift_right_logical3A_36 = arith.shrui %add3A_34, %shift_right_logical3A_35 : vector<256x4096xi32>
    %or3A = arith.ori %and3A_30, %shift_right_logical3A_36 : vector<256x4096xi32>
    %bitcast_convert_type3A_37 = tpu.bitcast %or3A : vector<256x4096xi32> -> vector<256x4096xi32>
    %reshape3A = vector.shape_cast %bitcast_convert_type3A_37 : vector<256x4096xi32> to vector<1048576xi32>
    %swap3A = arith.constant 0 : index
    %swap3A_38 = vector.load %arg5[%swap3A] : memref<1048576xi32, #tpu.memory_space<vmem>>, vector<1048576xi32>
    tpu.vector_store %arg5[%swap3A], %reshape3A {strides = array<i32>} : memref<1048576xi32, #tpu.memory_space<vmem>>, vector<1048576xi32>,
    return
  }
  func.func @transform_0(%arg0: i32) -> (i32, i32) {
    %c0_i32 = arith.constant 0 : i32
    %c0_i32_0 = arith.constant 0 : i32
    return %arg0, %c0_i32 : i32, i32
  }
  func.func @transform_1(%arg0: i32) -> (i32, i32) {
    %c0_i32 = arith.constant 0 : i32
    %c0_i32_0 = arith.constant 0 : i32
    %c0_i32_1 = arith.constant 0 : i32
    return %c0_i32, %c0_i32_0 : i32, i32
  }
  func.func @transform_2(%arg0: i32) -> (i32, i32) {
    %c0_i32 = arith.constant 0 : i32
    %c0_i32_0 = arith.constant 0 : i32
    return %arg0, %c0_i32 : i32, i32
  }
  func.func @transform_3(%arg0: i32) -> (i32, i32) {
    %c0_i32 = arith.constant 0 : i32
    %c0_i32_0 = arith.constant 0 : i32
    %c0_i32_1 = arith.constant 0 : i32
    return %c0_i32, %c0_i32_0 : i32, i32
  }
  func.func @transform_4(%arg0: i32) -> i32 {
    %c0_i32 = arith.constant 0 : i32
    return %arg0 : i32
  }
}

module attributes {stable_mosaic.version = 14 : i64} {
  func.func @_tc_local_body(%arg0: i32, %arg1: memref<256x64xf32, #tpu.memory_space<vmem>>, %arg2: memref<4096x64xf32, #tpu.memory_space<vmem>>, %arg3: memref<1048576xi32, #tpu.memory_space<vmem>>, %arg4: memref<1x1xf32, #tpu.memory_space<vmem>>) attributes {dimension_semantics = [#tpu.dimension_semantics<arbitrary>], iteration_bounds = array<i64: 16>, scalar_prefetch = 0 : i64, scratch_operands = 0 : i64, tpu.core_type = #tpu.core_type<tc>, window_params = [{transform_indices = @transform_0, window_bounds = array<i64: 256, 64>}, {pipeline_mode = #tpu.pipeline_mode<synchronous>, transform_indices = @transform_1, window_bounds = array<i64: 4096, 64>}, {transform_indices = @transform_2, window_bounds = array<i64: 1048576>}, {pipeline_mode = #tpu.pipeline_mode<synchronous>, transform_indices = @transform_3, window_bounds = array<i64: 1, 1>}]} {
    %get3A = arith.constant 0 : index
    %get3A_0 = arith.constant 0 : index
    %get3A_1 = vector.load %arg1[%get3A, %get3A_0] : memref<256x64xf32, #tpu.memory_space<vmem>>, vector<256x64xf32>
    %get3A_2 = arith.constant 0 : index
    %get3A_3 = arith.constant 0 : index
    %get3A_4 = vector.load %arg2[%get3A_2, %get3A_3] : memref<4096x64xf32, #tpu.memory_space<vmem>>, vector<4096x64xf32>
    %dot_general3A = arith.constant dense<0.000000e+00> : vector<256x4096xf32>
    %dot_general3A_5 = tpu.matmul %get3A_1, %get3A_4, %dot_general3A {dimension_numbers = #tpu.dot_dimension_numbers<[1], [1], [0], [0], [0, 0, 1, 0], [], []>, transpose_lhs_hint = false} : vector<256x64xf32>, vector<4096x64xf32>, vector<256x4096xf32> -> vector<256x4096xf32>
    %sub3A = arith.constant 1.000000e+00 : f32
    %sub3A_6 = vector.broadcast %sub3A : f32 to vector<256x4096xf32>
    %sub3A_7 = arith.subf %sub3A_6, %dot_general3A_5 : vector<256x4096xf32>
    %get3A_8 = arith.constant 0 : index
    %get3A_9 = vector.load %arg3[%get3A_8] : memref<1048576xi32, #tpu.memory_space<vmem>>, vector<1048576xi32>
    %reshape3A = vector.shape_cast %get3A_9 : vector<1048576xi32> to vector<256x4096xi32>
    %bitcast_convert_type3A = tpu.bitcast %reshape3A : vector<256x4096xi32> -> vector<256x4096xi32>
    %shift_left3A = arith.constant 16 : i32
    %shift_left3A_10 = vector.broadcast %shift_left3A : i32 to vector<256x4096xi32>
    %shift_left3A_11 = arith.shli %bitcast_convert_type3A, %shift_left3A_10 : vector<256x4096xi32>
    %bitcast_convert_type3A_12 = tpu.bitcast %shift_left3A_11 : vector<256x4096xi32> -> vector<256x4096xf32>
    %slice3A = vector.extract_strided_slice %sub3A_7 {offsets = [0, 0], sizes = [256, 128], strides = [1, 1]} : vector<256x4096xf32> to vector<256x128xf32>
    %slice3A_13 = vector.extract_strided_slice %sub3A_7 {offsets = [0, 128], sizes = [256, 128], strides = [1, 1]} : vector<256x4096xf32> to vector<256x128xf32>
    %slice3A_14 = vector.extract_strided_slice %sub3A_7 {offsets = [0, 256], sizes = [256, 128], strides = [1, 1]} : vector<256x4096xf32> to vector<256x128xf32>
    %slice3A_15 = vector.extract_strided_slice %sub3A_7 {offsets = [0, 384], sizes = [256, 128], strides = [1, 1]} : vector<256x4096xf32> to vector<256x128xf32>
    %slice3A_16 = vector.extract_strided_slice %sub3A_7 {offsets = [0, 512], sizes = [256, 128], strides = [1, 1]} : vector<256x4096xf32> to vector<256x128xf32>
    %slice3A_17 = vector.extract_strided_slice %sub3A_7 {offsets = [0, 640], sizes = [256, 128], strides = [1, 1]} : vector<256x4096xf32> to vector<256x128xf32>
    %slice3A_18 = vector.extract_strided_slice %sub3A_7 {offsets = [0, 768], sizes = [256, 128], strides = [1, 1]} : vector<256x4096xf32> to vector<256x128xf32>
    %slice3A_19 = vector.extract_strided_slice %sub3A_7 {offsets = [0, 896], sizes = [256, 128], strides = [1, 1]} : vector<256x4096xf32> to vector<256x128xf32>
    %slice3A_20 = vector.extract_strided_slice %sub3A_7 {offsets = [0, 1024], sizes = [256, 128], strides = [1, 1]} : vector<256x4096xf32> to vector<256x128xf32>
    %slice3A_21 = vector.extract_strided_slice %sub3A_7 {offsets = [0, 1152], sizes = [256, 128], strides = [1, 1]} : vector<256x4096xf32> to vector<256x128xf32>
    %slice3A_22 = vector.extract_strided_slice %sub3A_7 {offsets = [0, 1280], sizes = [256, 128], strides = [1, 1]} : vector<256x4096xf32> to vector<256x128xf32>
    %slice3A_23 = vector.extract_strided_slice %sub3A_7 {offsets = [0, 1408], sizes = [256, 128], strides = [1, 1]} : vector<256x4096xf32> to vector<256x128xf32>
    %slice3A_24 = vector.extract_strided_slice %sub3A_7 {offsets = [0, 1536], sizes = [256, 128], strides = [1, 1]} : vector<256x4096xf32> to vector<256x128xf32>
    %slice3A_25 = vector.extract_strided_slice %sub3A_7 {offsets = [0, 1664], sizes = [256, 128], strides = [1, 1]} : vector<256x4096xf32> to vector<256x128xf32>
    %slice3A_26 = vector.extract_strided_slice %sub3A_7 {offsets = [0, 1792], sizes = [256, 128], strides = [1, 1]} : vector<256x4096xf32> to vector<256x128xf32>
    %slice3A_27 = vector.extract_strided_slice %sub3A_7 {offsets = [0, 1920], sizes = [256, 128], strides = [1, 1]} : vector<256x4096xf32> to vector<256x128xf32>
    %slice3A_28 = vector.extract_strided_slice %sub3A_7 {offsets = [0, 2048], sizes = [256, 128], strides = [1, 1]} : vector<256x4096xf32> to vector<256x128xf32>
    %slice3A_29 = vector.extract_strided_slice %sub3A_7 {offsets = [0, 2176], sizes = [256, 128], strides = [1, 1]} : vector<256x4096xf32> to vector<256x128xf32>
    %slice3A_30 = vector.extract_strided_slice %sub3A_7 {offsets = [0, 2304], sizes = [256, 128], strides = [1, 1]} : vector<256x4096xf32> to vector<256x128xf32>
    %slice3A_31 = vector.extract_strided_slice %sub3A_7 {offsets = [0, 2432], sizes = [256, 128], strides = [1, 1]} : vector<256x4096xf32> to vector<256x128xf32>
    %slice3A_32 = vector.extract_strided_slice %sub3A_7 {offsets = [0, 2560], sizes = [256, 128], strides = [1, 1]} : vector<256x4096xf32> to vector<256x128xf32>
    %slice3A_33 = vector.extract_strided_slice %sub3A_7 {offsets = [0, 2688], sizes = [256, 128], strides = [1, 1]} : vector<256x4096xf32> to vector<256x128xf32>
    %slice3A_34 = vector.extract_strided_slice %sub3A_7 {offsets = [0, 2816], sizes = [256, 128], strides = [1, 1]} : vector<256x4096xf32> to vector<256x128xf32>
    %slice3A_35 = vector.extract_strided_slice %sub3A_7 {offsets = [0, 2944], sizes = [256, 128], strides = [1, 1]} : vector<256x4096xf32> to vector<256x128xf32>
    %slice3A_36 = vector.extract_strided_slice %sub3A_7 {offsets = [0, 3072], sizes = [256, 128], strides = [1, 1]} : vector<256x4096xf32> to vector<256x128xf32>
    %slice3A_37 = vector.extract_strided_slice %sub3A_7 {offsets = [0, 3200], sizes = [256, 128], strides = [1, 1]} : vector<256x4096xf32> to vector<256x128xf32>
    %slice3A_38 = vector.extract_strided_slice %sub3A_7 {offsets = [0, 3328], sizes = [256, 128], strides = [1, 1]} : vector<256x4096xf32> to vector<256x128xf32>
    %slice3A_39 = vector.extract_strided_slice %sub3A_7 {offsets = [0, 3456], sizes = [256, 128], strides = [1, 1]} : vector<256x4096xf32> to vector<256x128xf32>
    %slice3A_40 = vector.extract_strided_slice %sub3A_7 {offsets = [0, 3584], sizes = [256, 128], strides = [1, 1]} : vector<256x4096xf32> to vector<256x128xf32>
    %slice3A_41 = vector.extract_strided_slice %sub3A_7 {offsets = [0, 3712], sizes = [256, 128], strides = [1, 1]} : vector<256x4096xf32> to vector<256x128xf32>
    %slice3A_42 = vector.extract_strided_slice %sub3A_7 {offsets = [0, 3840], sizes = [256, 128], strides = [1, 1]} : vector<256x4096xf32> to vector<256x128xf32>
    %slice3A_43 = vector.extract_strided_slice %sub3A_7 {offsets = [0, 3968], sizes = [256, 128], strides = [1, 1]} : vector<256x4096xf32> to vector<256x128xf32>
    %min3A = arith.minimumf %slice3A, %slice3A_13 : vector<256x128xf32>
    %min3A_44 = arith.minimumf %slice3A_14, %slice3A_15 : vector<256x128xf32>
    %min3A_45 = arith.minimumf %slice3A_16, %slice3A_17 : vector<256x128xf32>
    %min3A_46 = arith.minimumf %slice3A_18, %slice3A_19 : vector<256x128xf32>
    %min3A_47 = arith.minimumf %slice3A_20, %slice3A_21 : vector<256x128xf32>
    %min3A_48 = arith.minimumf %slice3A_22, %slice3A_23 : vector<256x128xf32>
    %min3A_49 = arith.minimumf %slice3A_24, %slice3A_25 : vector<256x128xf32>
    %min3A_50 = arith.minimumf %slice3A_26, %slice3A_27 : vector<256x128xf32>
    %min3A_51 = arith.minimumf %slice3A_28, %slice3A_29 : vector<256x128xf32>
    %min3A_52 = arith.minimumf %slice3A_30, %slice3A_31 : vector<256x128xf32>
    %min3A_53 = arith.minimumf %slice3A_32, %slice3A_33 : vector<256x128xf32>
    %min3A_54 = arith.minimumf %slice3A_34, %slice3A_35 : vector<256x128xf32>
    %min3A_55 = arith.minimumf %slice3A_36, %slice3A_37 : vector<256x128xf32>
    %min3A_56 = arith.minimumf %slice3A_38, %slice3A_39 : vector<256x128xf32>
    %min3A_57 = arith.minimumf %slice3A_40, %slice3A_41 : vector<256x128xf32>
    %min3A_58 = arith.minimumf %slice3A_42, %slice3A_43 : vector<256x128xf32>
    %min3A_59 = arith.minimumf %min3A, %min3A_44 : vector<256x128xf32>
    %min3A_60 = arith.minimumf %min3A_45, %min3A_46 : vector<256x128xf32>
    %min3A_61 = arith.minimumf %min3A_47, %min3A_48 : vector<256x128xf32>
    %min3A_62 = arith.minimumf %min3A_49, %min3A_50 : vector<256x128xf32>
    %min3A_63 = arith.minimumf %min3A_51, %min3A_52 : vector<256x128xf32>
    %min3A_64 = arith.minimumf %min3A_53, %min3A_54 : vector<256x128xf32>
    %min3A_65 = arith.minimumf %min3A_55, %min3A_56 : vector<256x128xf32>
    %min3A_66 = arith.minimumf %min3A_57, %min3A_58 : vector<256x128xf32>
    %min3A_67 = arith.minimumf %min3A_59, %min3A_60 : vector<256x128xf32>
    %min3A_68 = arith.minimumf %min3A_61, %min3A_62 : vector<256x128xf32>
    %min3A_69 = arith.minimumf %min3A_63, %min3A_64 : vector<256x128xf32>
    %min3A_70 = arith.minimumf %min3A_65, %min3A_66 : vector<256x128xf32>
    %min3A_71 = arith.minimumf %min3A_67, %min3A_68 : vector<256x128xf32>
    %min3A_72 = arith.minimumf %min3A_69, %min3A_70 : vector<256x128xf32>
    %min3A_73 = arith.minimumf %min3A_71, %min3A_72 : vector<256x128xf32>
    %gt3A = arith.cmpf ogt, %slice3A, %min3A_73 : vector<256x128xf32>
    %jit3A = arith.constant 0x7F800000 : f32
    %broadcast_in_dim3A = vector.broadcast %jit3A : f32 to vector<256x128xf32>
    %select_n3A = arith.select %gt3A, %slice3A, %broadcast_in_dim3A : vector<256x128xi1>, vector<256x128xf32>
    %gt3A_74 = arith.cmpf ogt, %slice3A_13, %min3A_73 : vector<256x128xf32>
    %jit3A_75 = arith.constant 0x7F800000 : f32
    %broadcast_in_dim3A_76 = vector.broadcast %jit3A_75 : f32 to vector<256x128xf32>
    %select_n3A_77 = arith.select %gt3A_74, %slice3A_13, %broadcast_in_dim3A_76 : vector<256x128xi1>, vector<256x128xf32>
    %gt3A_78 = arith.cmpf ogt, %slice3A_14, %min3A_73 : vector<256x128xf32>
    %jit3A_79 = arith.constant 0x7F800000 : f32
    %broadcast_in_dim3A_80 = vector.broadcast %jit3A_79 : f32 to vector<256x128xf32>
    %select_n3A_81 = arith.select %gt3A_78, %slice3A_14, %broadcast_in_dim3A_80 : vector<256x128xi1>, vector<256x128xf32>
    %gt3A_82 = arith.cmpf ogt, %slice3A_15, %min3A_73 : vector<256x128xf32>
    %jit3A_83 = arith.constant 0x7F800000 : f32
    %broadcast_in_dim3A_84 = vector.broadcast %jit3A_83 : f32 to vector<256x128xf32>
    %select_n3A_85 = arith.select %gt3A_82, %slice3A_15, %broadcast_in_dim3A_84 : vector<256x128xi1>, vector<256x128xf32>
    %gt3A_86 = arith.cmpf ogt, %slice3A_16, %min3A_73 : vector<256x128xf32>
    %jit3A_87 = arith.constant 0x7F800000 : f32
    %broadcast_in_dim3A_88 = vector.broadcast %jit3A_87 : f32 to vector<256x128xf32>
    %select_n3A_89 = arith.select %gt3A_86, %slice3A_16, %broadcast_in_dim3A_88 : vector<256x128xi1>, vector<256x128xf32>
    %gt3A_90 = arith.cmpf ogt, %slice3A_17, %min3A_73 : vector<256x128xf32>
    %jit3A_91 = arith.constant 0x7F800000 : f32
    %broadcast_in_dim3A_92 = vector.broadcast %jit3A_91 : f32 to vector<256x128xf32>
    %select_n3A_93 = arith.select %gt3A_90, %slice3A_17, %broadcast_in_dim3A_92 : vector<256x128xi1>, vector<256x128xf32>
    %gt3A_94 = arith.cmpf ogt, %slice3A_18, %min3A_73 : vector<256x128xf32>
    %jit3A_95 = arith.constant 0x7F800000 : f32
    %broadcast_in_dim3A_96 = vector.broadcast %jit3A_95 : f32 to vector<256x128xf32>
    %select_n3A_97 = arith.select %gt3A_94, %slice3A_18, %broadcast_in_dim3A_96 : vector<256x128xi1>, vector<256x128xf32>
    %gt3A_98 = arith.cmpf ogt, %slice3A_19, %min3A_73 : vector<256x128xf32>
    %jit3A_99 = arith.constant 0x7F800000 : f32
    %broadcast_in_dim3A_100 = vector.broadcast %jit3A_99 : f32 to vector<256x128xf32>
    %select_n3A_101 = arith.select %gt3A_98, %slice3A_19, %broadcast_in_dim3A_100 : vector<256x128xi1>, vector<256x128xf32>
    %gt3A_102 = arith.cmpf ogt, %slice3A_20, %min3A_73 : vector<256x128xf32>
    %jit3A_103 = arith.constant 0x7F800000 : f32
    %broadcast_in_dim3A_104 = vector.broadcast %jit3A_103 : f32 to vector<256x128xf32>
    %select_n3A_105 = arith.select %gt3A_102, %slice3A_20, %broadcast_in_dim3A_104 : vector<256x128xi1>, vector<256x128xf32>
    %gt3A_106 = arith.cmpf ogt, %slice3A_21, %min3A_73 : vector<256x128xf32>
    %jit3A_107 = arith.constant 0x7F800000 : f32
    %broadcast_in_dim3A_108 = vector.broadcast %jit3A_107 : f32 to vector<256x128xf32>
    %select_n3A_109 = arith.select %gt3A_106, %slice3A_21, %broadcast_in_dim3A_108 : vector<256x128xi1>, vector<256x128xf32>
    %gt3A_110 = arith.cmpf ogt, %slice3A_22, %min3A_73 : vector<256x128xf32>
    %jit3A_111 = arith.constant 0x7F800000 : f32
    %broadcast_in_dim3A_112 = vector.broadcast %jit3A_111 : f32 to vector<256x128xf32>
    %select_n3A_113 = arith.select %gt3A_110, %slice3A_22, %broadcast_in_dim3A_112 : vector<256x128xi1>, vector<256x128xf32>
    %gt3A_114 = arith.cmpf ogt, %slice3A_23, %min3A_73 : vector<256x128xf32>
    %jit3A_115 = arith.constant 0x7F800000 : f32
    %broadcast_in_dim3A_116 = vector.broadcast %jit3A_115 : f32 to vector<256x128xf32>
    %select_n3A_117 = arith.select %gt3A_114, %slice3A_23, %broadcast_in_dim3A_116 : vector<256x128xi1>, vector<256x128xf32>
    %gt3A_118 = arith.cmpf ogt, %slice3A_24, %min3A_73 : vector<256x128xf32>
    %jit3A_119 = arith.constant 0x7F800000 : f32
    %broadcast_in_dim3A_120 = vector.broadcast %jit3A_119 : f32 to vector<256x128xf32>
    %select_n3A_121 = arith.select %gt3A_118, %slice3A_24, %broadcast_in_dim3A_120 : vector<256x128xi1>, vector<256x128xf32>
    %gt3A_122 = arith.cmpf ogt, %slice3A_25, %min3A_73 : vector<256x128xf32>
    %jit3A_123 = arith.constant 0x7F800000 : f32
    %broadcast_in_dim3A_124 = vector.broadcast %jit3A_123 : f32 to vector<256x128xf32>
    %select_n3A_125 = arith.select %gt3A_122, %slice3A_25, %broadcast_in_dim3A_124 : vector<256x128xi1>, vector<256x128xf32>
    %gt3A_126 = arith.cmpf ogt, %slice3A_26, %min3A_73 : vector<256x128xf32>
    %jit3A_127 = arith.constant 0x7F800000 : f32
    %broadcast_in_dim3A_128 = vector.broadcast %jit3A_127 : f32 to vector<256x128xf32>
    %select_n3A_129 = arith.select %gt3A_126, %slice3A_26, %broadcast_in_dim3A_128 : vector<256x128xi1>, vector<256x128xf32>
    %gt3A_130 = arith.cmpf ogt, %slice3A_27, %min3A_73 : vector<256x128xf32>
    %jit3A_131 = arith.constant 0x7F800000 : f32
    %broadcast_in_dim3A_132 = vector.broadcast %jit3A_131 : f32 to vector<256x128xf32>
    %select_n3A_133 = arith.select %gt3A_130, %slice3A_27, %broadcast_in_dim3A_132 : vector<256x128xi1>, vector<256x128xf32>
    %gt3A_134 = arith.cmpf ogt, %slice3A_28, %min3A_73 : vector<256x128xf32>
    %jit3A_135 = arith.constant 0x7F800000 : f32
    %broadcast_in_dim3A_136 = vector.broadcast %jit3A_135 : f32 to vector<256x128xf32>
    %select_n3A_137 = arith.select %gt3A_134, %slice3A_28, %broadcast_in_dim3A_136 : vector<256x128xi1>, vector<256x128xf32>
    %gt3A_138 = arith.cmpf ogt, %slice3A_29, %min3A_73 : vector<256x128xf32>
    %jit3A_139 = arith.constant 0x7F800000 : f32
    %broadcast_in_dim3A_140 = vector.broadcast %jit3A_139 : f32 to vector<256x128xf32>
    %select_n3A_141 = arith.select %gt3A_138, %slice3A_29, %broadcast_in_dim3A_140 : vector<256x128xi1>, vector<256x128xf32>
    %gt3A_142 = arith.cmpf ogt, %slice3A_30, %min3A_73 : vector<256x128xf32>
    %jit3A_143 = arith.constant 0x7F800000 : f32
    %broadcast_in_dim3A_144 = vector.broadcast %jit3A_143 : f32 to vector<256x128xf32>
    %select_n3A_145 = arith.select %gt3A_142, %slice3A_30, %broadcast_in_dim3A_144 : vector<256x128xi1>, vector<256x128xf32>
    %gt3A_146 = arith.cmpf ogt, %slice3A_31, %min3A_73 : vector<256x128xf32>
    %jit3A_147 = arith.constant 0x7F800000 : f32
    %broadcast_in_dim3A_148 = vector.broadcast %jit3A_147 : f32 to vector<256x128xf32>
    %select_n3A_149 = arith.select %gt3A_146, %slice3A_31, %broadcast_in_dim3A_148 : vector<256x128xi1>, vector<256x128xf32>
    %gt3A_150 = arith.cmpf ogt, %slice3A_32, %min3A_73 : vector<256x128xf32>
    %jit3A_151 = arith.constant 0x7F800000 : f32
    %broadcast_in_dim3A_152 = vector.broadcast %jit3A_151 : f32 to vector<256x128xf32>
    %select_n3A_153 = arith.select %gt3A_150, %slice3A_32, %broadcast_in_dim3A_152 : vector<256x128xi1>, vector<256x128xf32>
    %gt3A_154 = arith.cmpf ogt, %slice3A_33, %min3A_73 : vector<256x128xf32>
    %jit3A_155 = arith.constant 0x7F800000 : f32
    %broadcast_in_dim3A_156 = vector.broadcast %jit3A_155 : f32 to vector<256x128xf32>
    %select_n3A_157 = arith.select %gt3A_154, %slice3A_33, %broadcast_in_dim3A_156 : vector<256x128xi1>, vector<256x128xf32>
    %gt3A_158 = arith.cmpf ogt, %slice3A_34, %min3A_73 : vector<256x128xf32>
    %jit3A_159 = arith.constant 0x7F800000 : f32
    %broadcast_in_dim3A_160 = vector.broadcast %jit3A_159 : f32 to vector<256x128xf32>
    %select_n3A_161 = arith.select %gt3A_158, %slice3A_34, %broadcast_in_dim3A_160 : vector<256x128xi1>, vector<256x128xf32>
    %gt3A_162 = arith.cmpf ogt, %slice3A_35, %min3A_73 : vector<256x128xf32>
    %jit3A_163 = arith.constant 0x7F800000 : f32
    %broadcast_in_dim3A_164 = vector.broadcast %jit3A_163 : f32 to vector<256x128xf32>
    %select_n3A_165 = arith.select %gt3A_162, %slice3A_35, %broadcast_in_dim3A_164 : vector<256x128xi1>, vector<256x128xf32>
    %gt3A_166 = arith.cmpf ogt, %slice3A_36, %min3A_73 : vector<256x128xf32>
    %jit3A_167 = arith.constant 0x7F800000 : f32
    %broadcast_in_dim3A_168 = vector.broadcast %jit3A_167 : f32 to vector<256x128xf32>
    %select_n3A_169 = arith.select %gt3A_166, %slice3A_36, %broadcast_in_dim3A_168 : vector<256x128xi1>, vector<256x128xf32>
    %gt3A_170 = arith.cmpf ogt, %slice3A_37, %min3A_73 : vector<256x128xf32>
    %jit3A_171 = arith.constant 0x7F800000 : f32
    %broadcast_in_dim3A_172 = vector.broadcast %jit3A_171 : f32 to vector<256x128xf32>
    %select_n3A_173 = arith.select %gt3A_170, %slice3A_37, %broadcast_in_dim3A_172 : vector<256x128xi1>, vector<256x128xf32>
    %gt3A_174 = arith.cmpf ogt, %slice3A_38, %min3A_73 : vector<256x128xf32>
    %jit3A_175 = arith.constant 0x7F800000 : f32
    %broadcast_in_dim3A_176 = vector.broadcast %jit3A_175 : f32 to vector<256x128xf32>
    %select_n3A_177 = arith.select %gt3A_174, %slice3A_38, %broadcast_in_dim3A_176 : vector<256x128xi1>, vector<256x128xf32>
    %gt3A_178 = arith.cmpf ogt, %slice3A_39, %min3A_73 : vector<256x128xf32>
    %jit3A_179 = arith.constant 0x7F800000 : f32
    %broadcast_in_dim3A_180 = vector.broadcast %jit3A_179 : f32 to vector<256x128xf32>
    %select_n3A_181 = arith.select %gt3A_178, %slice3A_39, %broadcast_in_dim3A_180 : vector<256x128xi1>, vector<256x128xf32>
    %gt3A_182 = arith.cmpf ogt, %slice3A_40, %min3A_73 : vector<256x128xf32>
    %jit3A_183 = arith.constant 0x7F800000 : f32
    %broadcast_in_dim3A_184 = vector.broadcast %jit3A_183 : f32 to vector<256x128xf32>
    %select_n3A_185 = arith.select %gt3A_182, %slice3A_40, %broadcast_in_dim3A_184 : vector<256x128xi1>, vector<256x128xf32>
    %gt3A_186 = arith.cmpf ogt, %slice3A_41, %min3A_73 : vector<256x128xf32>
    %jit3A_187 = arith.constant 0x7F800000 : f32
    %broadcast_in_dim3A_188 = vector.broadcast %jit3A_187 : f32 to vector<256x128xf32>
    %select_n3A_189 = arith.select %gt3A_186, %slice3A_41, %broadcast_in_dim3A_188 : vector<256x128xi1>, vector<256x128xf32>
    %gt3A_190 = arith.cmpf ogt, %slice3A_42, %min3A_73 : vector<256x128xf32>
    %jit3A_191 = arith.constant 0x7F800000 : f32
    %broadcast_in_dim3A_192 = vector.broadcast %jit3A_191 : f32 to vector<256x128xf32>
    %select_n3A_193 = arith.select %gt3A_190, %slice3A_42, %broadcast_in_dim3A_192 : vector<256x128xi1>, vector<256x128xf32>
    %gt3A_194 = arith.cmpf ogt, %slice3A_43, %min3A_73 : vector<256x128xf32>
    %jit3A_195 = arith.constant 0x7F800000 : f32
    %broadcast_in_dim3A_196 = vector.broadcast %jit3A_195 : f32 to vector<256x128xf32>
    %select_n3A_197 = arith.select %gt3A_194, %slice3A_43, %broadcast_in_dim3A_196 : vector<256x128xi1>, vector<256x128xf32>
    %min3A_198 = arith.minimumf %select_n3A, %select_n3A_77 : vector<256x128xf32>
    %min3A_199 = arith.minimumf %select_n3A_81, %select_n3A_85 : vector<256x128xf32>
    %min3A_200 = arith.minimumf %select_n3A_89, %select_n3A_93 : vector<256x128xf32>
    %min3A_201 = arith.minimumf %select_n3A_97, %select_n3A_101 : vector<256x128xf32>
    %min3A_202 = arith.minimumf %select_n3A_105, %select_n3A_109 : vector<256x128xf32>
    %min3A_203 = arith.minimumf %select_n3A_113, %select_n3A_117 : vector<256x128xf32>
    %min3A_204 = arith.minimumf %select_n3A_121, %select_n3A_125 : vector<256x128xf32>
    %min3A_205 = arith.minimumf %select_n3A_129, %select_n3A_133 : vector<256x128xf32>
    %min3A_206 = arith.minimumf %select_n3A_137, %select_n3A_141 : vector<256x128xf32>
    %min3A_207 = arith.minimumf %select_n3A_145, %select_n3A_149 : vector<256x128xf32>
    %min3A_208 = arith.minimumf %select_n3A_153, %select_n3A_157 : vector<256x128xf32>
    %min3A_209 = arith.minimumf %select_n3A_161, %select_n3A_165 : vector<256x128xf32>
    %min3A_210 = arith.minimumf %select_n3A_169, %select_n3A_173 : vector<256x128xf32>
    %min3A_211 = arith.minimumf %select_n3A_177, %select_n3A_181 : vector<256x128xf32>
    %min3A_212 = arith.minimumf %select_n3A_185, %select_n3A_189 : vector<256x128xf32>
    %min3A_213 = arith.minimumf %select_n3A_193, %select_n3A_197 : vector<256x128xf32>
    %min3A_214 = arith.minimumf %min3A_198, %min3A_199 : vector<256x128xf32>
    %min3A_215 = arith.minimumf %min3A_200, %min3A_201 : vector<256x128xf32>
    %min3A_216 = arith.minimumf %min3A_202, %min3A_203 : vector<256x128xf32>
    %min3A_217 = arith.minimumf %min3A_204, %min3A_205 : vector<256x128xf32>
    %min3A_218 = arith.minimumf %min3A_206, %min3A_207 : vector<256x128xf32>
    %min3A_219 = arith.minimumf %min3A_208, %min3A_209 : vector<256x128xf32>
    %min3A_220 = arith.minimumf %min3A_210, %min3A_211 : vector<256x128xf32>
    %min3A_221 = arith.minimumf %min3A_212, %min3A_213 : vector<256x128xf32>
    %min3A_222 = arith.minimumf %min3A_214, %min3A_215 : vector<256x128xf32>
    %min3A_223 = arith.minimumf %min3A_216, %min3A_217 : vector<256x128xf32>
    %min3A_224 = arith.minimumf %min3A_218, %min3A_219 : vector<256x128xf32>
    %min3A_225 = arith.minimumf %min3A_220, %min3A_221 : vector<256x128xf32>
    %min3A_226 = arith.minimumf %min3A_222, %min3A_223 : vector<256x128xf32>
    %min3A_227 = arith.minimumf %min3A_224, %min3A_225 : vector<256x128xf32>
    %min3A_228 = arith.minimumf %min3A_226, %min3A_227 : vector<256x128xf32>
    %gt3A_229 = arith.cmpf ogt, %select_n3A, %min3A_228 : vector<256x128xf32>
    %jit3A_230 = arith.constant 0x7F800000 : f32
    %broadcast_in_dim3A_231 = vector.broadcast %jit3A_230 : f32 to vector<256x128xf32>
    %select_n3A_232 = arith.select %gt3A_229, %select_n3A, %broadcast_in_dim3A_231 : vector<256x128xi1>, vector<256x128xf32>
    %gt3A_233 = arith.cmpf ogt, %select_n3A_77, %min3A_228 : vector<256x128xf32>
    %jit3A_234 = arith.constant 0x7F800000 : f32
    %broadcast_in_dim3A_235 = vector.broadcast %jit3A_234 : f32 to vector<256x128xf32>
    %select_n3A_236 = arith.select %gt3A_233, %select_n3A_77, %broadcast_in_dim3A_235 : vector<256x128xi1>, vector<256x128xf32>
    %gt3A_237 = arith.cmpf ogt, %select_n3A_81, %min3A_228 : vector<256x128xf32>
    %jit3A_238 = arith.constant 0x7F800000 : f32
    %broadcast_in_dim3A_239 = vector.broadcast %jit3A_238 : f32 to vector<256x128xf32>
    %select_n3A_240 = arith.select %gt3A_237, %select_n3A_81, %broadcast_in_dim3A_239 : vector<256x128xi1>, vector<256x128xf32>
    %gt3A_241 = arith.cmpf ogt, %select_n3A_85, %min3A_228 : vector<256x128xf32>
    %jit3A_242 = arith.constant 0x7F800000 : f32
    %broadcast_in_dim3A_243 = vector.broadcast %jit3A_242 : f32 to vector<256x128xf32>
    %select_n3A_244 = arith.select %gt3A_241, %select_n3A_85, %broadcast_in_dim3A_243 : vector<256x128xi1>, vector<256x128xf32>
    %gt3A_245 = arith.cmpf ogt, %select_n3A_89, %min3A_228 : vector<256x128xf32>
    %jit3A_246 = arith.constant 0x7F800000 : f32
    %broadcast_in_dim3A_247 = vector.broadcast %jit3A_246 : f32 to vector<256x128xf32>
    %select_n3A_248 = arith.select %gt3A_245, %select_n3A_89, %broadcast_in_dim3A_247 : vector<256x128xi1>, vector<256x128xf32>
    %gt3A_249 = arith.cmpf ogt, %select_n3A_93, %min3A_228 : vector<256x128xf32>
    %jit3A_250 = arith.constant 0x7F800000 : f32
    %broadcast_in_dim3A_251 = vector.broadcast %jit3A_250 : f32 to vector<256x128xf32>
    %select_n3A_252 = arith.select %gt3A_249, %select_n3A_93, %broadcast_in_dim3A_251 : vector<256x128xi1>, vector<256x128xf32>
    %gt3A_253 = arith.cmpf ogt, %select_n3A_97, %min3A_228 : vector<256x128xf32>
    %jit3A_254 = arith.constant 0x7F800000 : f32
    %broadcast_in_dim3A_255 = vector.broadcast %jit3A_254 : f32 to vector<256x128xf32>
    %select_n3A_256 = arith.select %gt3A_253, %select_n3A_97, %broadcast_in_dim3A_255 : vector<256x128xi1>, vector<256x128xf32>
    %gt3A_257 = arith.cmpf ogt, %select_n3A_101, %min3A_228 : vector<256x128xf32>
    %jit3A_258 = arith.constant 0x7F800000 : f32
    %broadcast_in_dim3A_259 = vector.broadcast %jit3A_258 : f32 to vector<256x128xf32>
    %select_n3A_260 = arith.select %gt3A_257, %select_n3A_101, %broadcast_in_dim3A_259 : vector<256x128xi1>, vector<256x128xf32>
    %gt3A_261 = arith.cmpf ogt, %select_n3A_105, %min3A_228 : vector<256x128xf32>
    %jit3A_262 = arith.constant 0x7F800000 : f32
    %broadcast_in_dim3A_263 = vector.broadcast %jit3A_262 : f32 to vector<256x128xf32>
    %select_n3A_264 = arith.select %gt3A_261, %select_n3A_105, %broadcast_in_dim3A_263 : vector<256x128xi1>, vector<256x128xf32>
    %gt3A_265 = arith.cmpf ogt, %select_n3A_109, %min3A_228 : vector<256x128xf32>
    %jit3A_266 = arith.constant 0x7F800000 : f32
    %broadcast_in_dim3A_267 = vector.broadcast %jit3A_266 : f32 to vector<256x128xf32>
    %select_n3A_268 = arith.select %gt3A_265, %select_n3A_109, %broadcast_in_dim3A_267 : vector<256x128xi1>, vector<256x128xf32>
    %gt3A_269 = arith.cmpf ogt, %select_n3A_113, %min3A_228 : vector<256x128xf32>
    %jit3A_270 = arith.constant 0x7F800000 : f32
    %broadcast_in_dim3A_271 = vector.broadcast %jit3A_270 : f32 to vector<256x128xf32>
    %select_n3A_272 = arith.select %gt3A_269, %select_n3A_113, %broadcast_in_dim3A_271 : vector<256x128xi1>, vector<256x128xf32>
    %gt3A_273 = arith.cmpf ogt, %select_n3A_117, %min3A_228 : vector<256x128xf32>
    %jit3A_274 = arith.constant 0x7F800000 : f32
    %broadcast_in_dim3A_275 = vector.broadcast %jit3A_274 : f32 to vector<256x128xf32>
    %select_n3A_276 = arith.select %gt3A_273, %select_n3A_117, %broadcast_in_dim3A_275 : vector<256x128xi1>, vector<256x128xf32>
    %gt3A_277 = arith.cmpf ogt, %select_n3A_121, %min3A_228 : vector<256x128xf32>
    %jit3A_278 = arith.constant 0x7F800000 : f32
    %broadcast_in_dim3A_279 = vector.broadcast %jit3A_278 : f32 to vector<256x128xf32>
    %select_n3A_280 = arith.select %gt3A_277, %select_n3A_121, %broadcast_in_dim3A_279 : vector<256x128xi1>, vector<256x128xf32>
    %gt3A_281 = arith.cmpf ogt, %select_n3A_125, %min3A_228 : vector<256x128xf32>
    %jit3A_282 = arith.constant 0x7F800000 : f32
    %broadcast_in_dim3A_283 = vector.broadcast %jit3A_282 : f32 to vector<256x128xf32>
    %select_n3A_284 = arith.select %gt3A_281, %select_n3A_125, %broadcast_in_dim3A_283 : vector<256x128xi1>, vector<256x128xf32>
    %gt3A_285 = arith.cmpf ogt, %select_n3A_129, %min3A_228 : vector<256x128xf32>
    %jit3A_286 = arith.constant 0x7F800000 : f32
    %broadcast_in_dim3A_287 = vector.broadcast %jit3A_286 : f32 to vector<256x128xf32>
    %select_n3A_288 = arith.select %gt3A_285, %select_n3A_129, %broadcast_in_dim3A_287 : vector<256x128xi1>, vector<256x128xf32>
    %gt3A_289 = arith.cmpf ogt, %select_n3A_133, %min3A_228 : vector<256x128xf32>
    %jit3A_290 = arith.constant 0x7F800000 : f32
    %broadcast_in_dim3A_291 = vector.broadcast %jit3A_290 : f32 to vector<256x128xf32>
    %select_n3A_292 = arith.select %gt3A_289, %select_n3A_133, %broadcast_in_dim3A_291 : vector<256x128xi1>, vector<256x128xf32>
    %gt3A_293 = arith.cmpf ogt, %select_n3A_137, %min3A_228 : vector<256x128xf32>
    %jit3A_294 = arith.constant 0x7F800000 : f32
    %broadcast_in_dim3A_295 = vector.broadcast %jit3A_294 : f32 to vector<256x128xf32>
    %select_n3A_296 = arith.select %gt3A_293, %select_n3A_137, %broadcast_in_dim3A_295 : vector<256x128xi1>, vector<256x128xf32>
    %gt3A_297 = arith.cmpf ogt, %select_n3A_141, %min3A_228 : vector<256x128xf32>
    %jit3A_298 = arith.constant 0x7F800000 : f32
    %broadcast_in_dim3A_299 = vector.broadcast %jit3A_298 : f32 to vector<256x128xf32>
    %select_n3A_300 = arith.select %gt3A_297, %select_n3A_141, %broadcast_in_dim3A_299 : vector<256x128xi1>, vector<256x128xf32>
    %gt3A_301 = arith.cmpf ogt, %select_n3A_145, %min3A_228 : vector<256x128xf32>
    %jit3A_302 = arith.constant 0x7F800000 : f32
    %broadcast_in_dim3A_303 = vector.broadcast %jit3A_302 : f32 to vector<256x128xf32>
    %select_n3A_304 = arith.select %gt3A_301, %select_n3A_145, %broadcast_in_dim3A_303 : vector<256x128xi1>, vector<256x128xf32>
    %gt3A_305 = arith.cmpf ogt, %select_n3A_149, %min3A_228 : vector<256x128xf32>
    %jit3A_306 = arith.constant 0x7F800000 : f32
    %broadcast_in_dim3A_307 = vector.broadcast %jit3A_306 : f32 to vector<256x128xf32>
    %select_n3A_308 = arith.select %gt3A_305, %select_n3A_149, %broadcast_in_dim3A_307 : vector<256x128xi1>, vector<256x128xf32>
    %gt3A_309 = arith.cmpf ogt, %select_n3A_153, %min3A_228 : vector<256x128xf32>
    %jit3A_310 = arith.constant 0x7F800000 : f32
    %broadcast_in_dim3A_311 = vector.broadcast %jit3A_310 : f32 to vector<256x128xf32>
    %select_n3A_312 = arith.select %gt3A_309, %select_n3A_153, %broadcast_in_dim3A_311 : vector<256x128xi1>, vector<256x128xf32>
    %gt3A_313 = arith.cmpf ogt, %select_n3A_157, %min3A_228 : vector<256x128xf32>
    %jit3A_314 = arith.constant 0x7F800000 : f32
    %broadcast_in_dim3A_315 = vector.broadcast %jit3A_314 : f32 to vector<256x128xf32>
    %select_n3A_316 = arith.select %gt3A_313, %select_n3A_157, %broadcast_in_dim3A_315 : vector<256x128xi1>, vector<256x128xf32>
    %gt3A_317 = arith.cmpf ogt, %select_n3A_161, %min3A_228 : vector<256x128xf32>
    %jit3A_318 = arith.constant 0x7F800000 : f32
    %broadcast_in_dim3A_319 = vector.broadcast %jit3A_318 : f32 to vector<256x128xf32>
    %select_n3A_320 = arith.select %gt3A_317, %select_n3A_161, %broadcast_in_dim3A_319 : vector<256x128xi1>, vector<256x128xf32>
    %gt3A_321 = arith.cmpf ogt, %select_n3A_165, %min3A_228 : vector<256x128xf32>
    %jit3A_322 = arith.constant 0x7F800000 : f32
    %broadcast_in_dim3A_323 = vector.broadcast %jit3A_322 : f32 to vector<256x128xf32>
    %select_n3A_324 = arith.select %gt3A_321, %select_n3A_165, %broadcast_in_dim3A_323 : vector<256x128xi1>, vector<256x128xf32>
    %gt3A_325 = arith.cmpf ogt, %select_n3A_169, %min3A_228 : vector<256x128xf32>
    %jit3A_326 = arith.constant 0x7F800000 : f32
    %broadcast_in_dim3A_327 = vector.broadcast %jit3A_326 : f32 to vector<256x128xf32>
    %select_n3A_328 = arith.select %gt3A_325, %select_n3A_169, %broadcast_in_dim3A_327 : vector<256x128xi1>, vector<256x128xf32>
    %gt3A_329 = arith.cmpf ogt, %select_n3A_173, %min3A_228 : vector<256x128xf32>
    %jit3A_330 = arith.constant 0x7F800000 : f32
    %broadcast_in_dim3A_331 = vector.broadcast %jit3A_330 : f32 to vector<256x128xf32>
    %select_n3A_332 = arith.select %gt3A_329, %select_n3A_173, %broadcast_in_dim3A_331 : vector<256x128xi1>, vector<256x128xf32>
    %gt3A_333 = arith.cmpf ogt, %select_n3A_177, %min3A_228 : vector<256x128xf32>
    %jit3A_334 = arith.constant 0x7F800000 : f32
    %broadcast_in_dim3A_335 = vector.broadcast %jit3A_334 : f32 to vector<256x128xf32>
    %select_n3A_336 = arith.select %gt3A_333, %select_n3A_177, %broadcast_in_dim3A_335 : vector<256x128xi1>, vector<256x128xf32>
    %gt3A_337 = arith.cmpf ogt, %select_n3A_181, %min3A_228 : vector<256x128xf32>
    %jit3A_338 = arith.constant 0x7F800000 : f32
    %broadcast_in_dim3A_339 = vector.broadcast %jit3A_338 : f32 to vector<256x128xf32>
    %select_n3A_340 = arith.select %gt3A_337, %select_n3A_181, %broadcast_in_dim3A_339 : vector<256x128xi1>, vector<256x128xf32>
    %gt3A_341 = arith.cmpf ogt, %select_n3A_185, %min3A_228 : vector<256x128xf32>
    %jit3A_342 = arith.constant 0x7F800000 : f32
    %broadcast_in_dim3A_343 = vector.broadcast %jit3A_342 : f32 to vector<256x128xf32>
    %select_n3A_344 = arith.select %gt3A_341, %select_n3A_185, %broadcast_in_dim3A_343 : vector<256x128xi1>, vector<256x128xf32>
    %gt3A_345 = arith.cmpf ogt, %select_n3A_189, %min3A_228 : vector<256x128xf32>
    %jit3A_346 = arith.constant 0x7F800000 : f32
    %broadcast_in_dim3A_347 = vector.broadcast %jit3A_346 : f32 to vector<256x128xf32>
    %select_n3A_348 = arith.select %gt3A_345, %select_n3A_189, %broadcast_in_dim3A_347 : vector<256x128xi1>, vector<256x128xf32>
    %gt3A_349 = arith.cmpf ogt, %select_n3A_193, %min3A_228 : vector<256x128xf32>
    %jit3A_350 = arith.constant 0x7F800000 : f32
    %broadcast_in_dim3A_351 = vector.broadcast %jit3A_350 : f32 to vector<256x128xf32>
    %select_n3A_352 = arith.select %gt3A_349, %select_n3A_193, %broadcast_in_dim3A_351 : vector<256x128xi1>, vector<256x128xf32>
    %gt3A_353 = arith.cmpf ogt, %select_n3A_197, %min3A_228 : vector<256x128xf32>
    %jit3A_354 = arith.constant 0x7F800000 : f32
    %broadcast_in_dim3A_355 = vector.broadcast %jit3A_354 : f32 to vector<256x128xf32>
    %select_n3A_356 = arith.select %gt3A_353, %select_n3A_197, %broadcast_in_dim3A_355 : vector<256x128xi1>, vector<256x128xf32>
    %min3A_357 = arith.minimumf %select_n3A_232, %select_n3A_236 : vector<256x128xf32>
    %min3A_358 = arith.minimumf %select_n3A_240, %select_n3A_244 : vector<256x128xf32>
    %min3A_359 = arith.minimumf %select_n3A_248, %select_n3A_252 : vector<256x128xf32>
    %min3A_360 = arith.minimumf %select_n3A_256, %select_n3A_260 : vector<256x128xf32>
    %min3A_361 = arith.minimumf %select_n3A_264, %select_n3A_268 : vector<256x128xf32>
    %min3A_362 = arith.minimumf %select_n3A_272, %select_n3A_276 : vector<256x128xf32>
    %min3A_363 = arith.minimumf %select_n3A_280, %select_n3A_284 : vector<256x128xf32>
    %min3A_364 = arith.minimumf %select_n3A_288, %select_n3A_292 : vector<256x128xf32>
    %min3A_365 = arith.minimumf %select_n3A_296, %select_n3A_300 : vector<256x128xf32>
    %min3A_366 = arith.minimumf %select_n3A_304, %select_n3A_308 : vector<256x128xf32>
    %min3A_367 = arith.minimumf %select_n3A_312, %select_n3A_316 : vector<256x128xf32>
    %min3A_368 = arith.minimumf %select_n3A_320, %select_n3A_324 : vector<256x128xf32>
    %min3A_369 = arith.minimumf %select_n3A_328, %select_n3A_332 : vector<256x128xf32>
    %min3A_370 = arith.minimumf %select_n3A_336, %select_n3A_340 : vector<256x128xf32>
    %min3A_371 = arith.minimumf %select_n3A_344, %select_n3A_348 : vector<256x128xf32>
    %min3A_372 = arith.minimumf %select_n3A_352, %select_n3A_356 : vector<256x128xf32>
    %min3A_373 = arith.minimumf %min3A_357, %min3A_358 : vector<256x128xf32>
    %min3A_374 = arith.minimumf %min3A_359, %min3A_360 : vector<256x128xf32>
    %min3A_375 = arith.minimumf %min3A_361, %min3A_362 : vector<256x128xf32>
    %min3A_376 = arith.minimumf %min3A_363, %min3A_364 : vector<256x128xf32>
    %min3A_377 = arith.minimumf %min3A_365, %min3A_366 : vector<256x128xf32>
    %min3A_378 = arith.minimumf %min3A_367, %min3A_368 : vector<256x128xf32>
    %min3A_379 = arith.minimumf %min3A_369, %min3A_370 : vector<256x128xf32>
    %min3A_380 = arith.minimumf %min3A_371, %min3A_372 : vector<256x128xf32>
    %min3A_381 = arith.minimumf %min3A_373, %min3A_374 : vector<256x128xf32>
    %min3A_382 = arith.minimumf %min3A_375, %min3A_376 : vector<256x128xf32>
    %min3A_383 = arith.minimumf %min3A_377, %min3A_378 : vector<256x128xf32>
    %min3A_384 = arith.minimumf %min3A_379, %min3A_380 : vector<256x128xf32>
    %min3A_385 = arith.minimumf %min3A_381, %min3A_382 : vector<256x128xf32>
    %min3A_386 = arith.minimumf %min3A_383, %min3A_384 : vector<256x128xf32>
    %min3A_387 = arith.minimumf %min3A_385, %min3A_386 : vector<256x128xf32>
    %gt3A_388 = arith.cmpf ogt, %select_n3A_232, %min3A_387 : vector<256x128xf32>
    %jit3A_389 = arith.constant 0x7F800000 : f32
    %broadcast_in_dim3A_390 = vector.broadcast %jit3A_389 : f32 to vector<256x128xf32>
    %select_n3A_391 = arith.select %gt3A_388, %select_n3A_232, %broadcast_in_dim3A_390 : vector<256x128xi1>, vector<256x128xf32>
    %gt3A_392 = arith.cmpf ogt, %select_n3A_236, %min3A_387 : vector<256x128xf32>
    %jit3A_393 = arith.constant 0x7F800000 : f32
    %broadcast_in_dim3A_394 = vector.broadcast %jit3A_393 : f32 to vector<256x128xf32>
    %select_n3A_395 = arith.select %gt3A_392, %select_n3A_236, %broadcast_in_dim3A_394 : vector<256x128xi1>, vector<256x128xf32>
    %gt3A_396 = arith.cmpf ogt, %select_n3A_240, %min3A_387 : vector<256x128xf32>
    %jit3A_397 = arith.constant 0x7F800000 : f32
    %broadcast_in_dim3A_398 = vector.broadcast %jit3A_397 : f32 to vector<256x128xf32>
    %select_n3A_399 = arith.select %gt3A_396, %select_n3A_240, %broadcast_in_dim3A_398 : vector<256x128xi1>, vector<256x128xf32>
    %gt3A_400 = arith.cmpf ogt, %select_n3A_244, %min3A_387 : vector<256x128xf32>
    %jit3A_401 = arith.constant 0x7F800000 : f32
    %broadcast_in_dim3A_402 = vector.broadcast %jit3A_401 : f32 to vector<256x128xf32>
    %select_n3A_403 = arith.select %gt3A_400, %select_n3A_244, %broadcast_in_dim3A_402 : vector<256x128xi1>, vector<256x128xf32>
    %gt3A_404 = arith.cmpf ogt, %select_n3A_248, %min3A_387 : vector<256x128xf32>
    %jit3A_405 = arith.constant 0x7F800000 : f32
    %broadcast_in_dim3A_406 = vector.broadcast %jit3A_405 : f32 to vector<256x128xf32>
    %select_n3A_407 = arith.select %gt3A_404, %select_n3A_248, %broadcast_in_dim3A_406 : vector<256x128xi1>, vector<256x128xf32>
    %gt3A_408 = arith.cmpf ogt, %select_n3A_252, %min3A_387 : vector<256x128xf32>
    %jit3A_409 = arith.constant 0x7F800000 : f32
    %broadcast_in_dim3A_410 = vector.broadcast %jit3A_409 : f32 to vector<256x128xf32>
    %select_n3A_411 = arith.select %gt3A_408, %select_n3A_252, %broadcast_in_dim3A_410 : vector<256x128xi1>, vector<256x128xf32>
    %gt3A_412 = arith.cmpf ogt, %select_n3A_256, %min3A_387 : vector<256x128xf32>
    %jit3A_413 = arith.constant 0x7F800000 : f32
    %broadcast_in_dim3A_414 = vector.broadcast %jit3A_413 : f32 to vector<256x128xf32>
    %select_n3A_415 = arith.select %gt3A_412, %select_n3A_256, %broadcast_in_dim3A_414 : vector<256x128xi1>, vector<256x128xf32>
    %gt3A_416 = arith.cmpf ogt, %select_n3A_260, %min3A_387 : vector<256x128xf32>
    %jit3A_417 = arith.constant 0x7F800000 : f32
    %broadcast_in_dim3A_418 = vector.broadcast %jit3A_417 : f32 to vector<256x128xf32>
    %select_n3A_419 = arith.select %gt3A_416, %select_n3A_260, %broadcast_in_dim3A_418 : vector<256x128xi1>, vector<256x128xf32>
    %gt3A_420 = arith.cmpf ogt, %select_n3A_264, %min3A_387 : vector<256x128xf32>
    %jit3A_421 = arith.constant 0x7F800000 : f32
    %broadcast_in_dim3A_422 = vector.broadcast %jit3A_421 : f32 to vector<256x128xf32>
    %select_n3A_423 = arith.select %gt3A_420, %select_n3A_264, %broadcast_in_dim3A_422 : vector<256x128xi1>, vector<256x128xf32>
    %gt3A_424 = arith.cmpf ogt, %select_n3A_268, %min3A_387 : vector<256x128xf32>
    %jit3A_425 = arith.constant 0x7F800000 : f32
    %broadcast_in_dim3A_426 = vector.broadcast %jit3A_425 : f32 to vector<256x128xf32>
    %select_n3A_427 = arith.select %gt3A_424, %select_n3A_268, %broadcast_in_dim3A_426 : vector<256x128xi1>, vector<256x128xf32>
    %gt3A_428 = arith.cmpf ogt, %select_n3A_272, %min3A_387 : vector<256x128xf32>
    %jit3A_429 = arith.constant 0x7F800000 : f32
    %broadcast_in_dim3A_430 = vector.broadcast %jit3A_429 : f32 to vector<256x128xf32>
    %select_n3A_431 = arith.select %gt3A_428, %select_n3A_272, %broadcast_in_dim3A_430 : vector<256x128xi1>, vector<256x128xf32>
    %gt3A_432 = arith.cmpf ogt, %select_n3A_276, %min3A_387 : vector<256x128xf32>
    %jit3A_433 = arith.constant 0x7F800000 : f32
    %broadcast_in_dim3A_434 = vector.broadcast %jit3A_433 : f32 to vector<256x128xf32>
    %select_n3A_435 = arith.select %gt3A_432, %select_n3A_276, %broadcast_in_dim3A_434 : vector<256x128xi1>, vector<256x128xf32>
    %gt3A_436 = arith.cmpf ogt, %select_n3A_280, %min3A_387 : vector<256x128xf32>
    %jit3A_437 = arith.constant 0x7F800000 : f32
    %broadcast_in_dim3A_438 = vector.broadcast %jit3A_437 : f32 to vector<256x128xf32>
    %select_n3A_439 = arith.select %gt3A_436, %select_n3A_280, %broadcast_in_dim3A_438 : vector<256x128xi1>, vector<256x128xf32>
    %gt3A_440 = arith.cmpf ogt, %select_n3A_284, %min3A_387 : vector<256x128xf32>
    %jit3A_441 = arith.constant 0x7F800000 : f32
    %broadcast_in_dim3A_442 = vector.broadcast %jit3A_441 : f32 to vector<256x128xf32>
    %select_n3A_443 = arith.select %gt3A_440, %select_n3A_284, %broadcast_in_dim3A_442 : vector<256x128xi1>, vector<256x128xf32>
    %gt3A_444 = arith.cmpf ogt, %select_n3A_288, %min3A_387 : vector<256x128xf32>
    %jit3A_445 = arith.constant 0x7F800000 : f32
    %broadcast_in_dim3A_446 = vector.broadcast %jit3A_445 : f32 to vector<256x128xf32>
    %select_n3A_447 = arith.select %gt3A_444, %select_n3A_288, %broadcast_in_dim3A_446 : vector<256x128xi1>, vector<256x128xf32>
    %gt3A_448 = arith.cmpf ogt, %select_n3A_292, %min3A_387 : vector<256x128xf32>
    %jit3A_449 = arith.constant 0x7F800000 : f32
    %broadcast_in_dim3A_450 = vector.broadcast %jit3A_449 : f32 to vector<256x128xf32>
    %select_n3A_451 = arith.select %gt3A_448, %select_n3A_292, %broadcast_in_dim3A_450 : vector<256x128xi1>, vector<256x128xf32>
    %gt3A_452 = arith.cmpf ogt, %select_n3A_296, %min3A_387 : vector<256x128xf32>
    %jit3A_453 = arith.constant 0x7F800000 : f32
    %broadcast_in_dim3A_454 = vector.broadcast %jit3A_453 : f32 to vector<256x128xf32>
    %select_n3A_455 = arith.select %gt3A_452, %select_n3A_296, %broadcast_in_dim3A_454 : vector<256x128xi1>, vector<256x128xf32>
    %gt3A_456 = arith.cmpf ogt, %select_n3A_300, %min3A_387 : vector<256x128xf32>
    %jit3A_457 = arith.constant 0x7F800000 : f32
    %broadcast_in_dim3A_458 = vector.broadcast %jit3A_457 : f32 to vector<256x128xf32>
    %select_n3A_459 = arith.select %gt3A_456, %select_n3A_300, %broadcast_in_dim3A_458 : vector<256x128xi1>, vector<256x128xf32>
    %gt3A_460 = arith.cmpf ogt, %select_n3A_304, %min3A_387 : vector<256x128xf32>
    %jit3A_461 = arith.constant 0x7F800000 : f32
    %broadcast_in_dim3A_462 = vector.broadcast %jit3A_461 : f32 to vector<256x128xf32>
    %select_n3A_463 = arith.select %gt3A_460, %select_n3A_304, %broadcast_in_dim3A_462 : vector<256x128xi1>, vector<256x128xf32>
    %gt3A_464 = arith.cmpf ogt, %select_n3A_308, %min3A_387 : vector<256x128xf32>
    %jit3A_465 = arith.constant 0x7F800000 : f32
    %broadcast_in_dim3A_466 = vector.broadcast %jit3A_465 : f32 to vector<256x128xf32>
    %select_n3A_467 = arith.select %gt3A_464, %select_n3A_308, %broadcast_in_dim3A_466 : vector<256x128xi1>, vector<256x128xf32>
    %gt3A_468 = arith.cmpf ogt, %select_n3A_312, %min3A_387 : vector<256x128xf32>
    %jit3A_469 = arith.constant 0x7F800000 : f32
    %broadcast_in_dim3A_470 = vector.broadcast %jit3A_469 : f32 to vector<256x128xf32>
    %select_n3A_471 = arith.select %gt3A_468, %select_n3A_312, %broadcast_in_dim3A_470 : vector<256x128xi1>, vector<256x128xf32>
    %gt3A_472 = arith.cmpf ogt, %select_n3A_316, %min3A_387 : vector<256x128xf32>
    %jit3A_473 = arith.constant 0x7F800000 : f32
    %broadcast_in_dim3A_474 = vector.broadcast %jit3A_473 : f32 to vector<256x128xf32>
    %select_n3A_475 = arith.select %gt3A_472, %select_n3A_316, %broadcast_in_dim3A_474 : vector<256x128xi1>, vector<256x128xf32>
    %gt3A_476 = arith.cmpf ogt, %select_n3A_320, %min3A_387 : vector<256x128xf32>
    %jit3A_477 = arith.constant 0x7F800000 : f32
    %broadcast_in_dim3A_478 = vector.broadcast %jit3A_477 : f32 to vector<256x128xf32>
    %select_n3A_479 = arith.select %gt3A_476, %select_n3A_320, %broadcast_in_dim3A_478 : vector<256x128xi1>, vector<256x128xf32>
    %gt3A_480 = arith.cmpf ogt, %select_n3A_324, %min3A_387 : vector<256x128xf32>
    %jit3A_481 = arith.constant 0x7F800000 : f32
    %broadcast_in_dim3A_482 = vector.broadcast %jit3A_481 : f32 to vector<256x128xf32>
    %select_n3A_483 = arith.select %gt3A_480, %select_n3A_324, %broadcast_in_dim3A_482 : vector<256x128xi1>, vector<256x128xf32>
    %gt3A_484 = arith.cmpf ogt, %select_n3A_328, %min3A_387 : vector<256x128xf32>
    %jit3A_485 = arith.constant 0x7F800000 : f32
    %broadcast_in_dim3A_486 = vector.broadcast %jit3A_485 : f32 to vector<256x128xf32>
    %select_n3A_487 = arith.select %gt3A_484, %select_n3A_328, %broadcast_in_dim3A_486 : vector<256x128xi1>, vector<256x128xf32>
    %gt3A_488 = arith.cmpf ogt, %select_n3A_332, %min3A_387 : vector<256x128xf32>
    %jit3A_489 = arith.constant 0x7F800000 : f32
    %broadcast_in_dim3A_490 = vector.broadcast %jit3A_489 : f32 to vector<256x128xf32>
    %select_n3A_491 = arith.select %gt3A_488, %select_n3A_332, %broadcast_in_dim3A_490 : vector<256x128xi1>, vector<256x128xf32>
    %gt3A_492 = arith.cmpf ogt, %select_n3A_336, %min3A_387 : vector<256x128xf32>
    %jit3A_493 = arith.constant 0x7F800000 : f32
    %broadcast_in_dim3A_494 = vector.broadcast %jit3A_493 : f32 to vector<256x128xf32>
    %select_n3A_495 = arith.select %gt3A_492, %select_n3A_336, %broadcast_in_dim3A_494 : vector<256x128xi1>, vector<256x128xf32>
    %gt3A_496 = arith.cmpf ogt, %select_n3A_340, %min3A_387 : vector<256x128xf32>
    %jit3A_497 = arith.constant 0x7F800000 : f32
    %broadcast_in_dim3A_498 = vector.broadcast %jit3A_497 : f32 to vector<256x128xf32>
    %select_n3A_499 = arith.select %gt3A_496, %select_n3A_340, %broadcast_in_dim3A_498 : vector<256x128xi1>, vector<256x128xf32>
    %gt3A_500 = arith.cmpf ogt, %select_n3A_344, %min3A_387 : vector<256x128xf32>
    %jit3A_501 = arith.constant 0x7F800000 : f32
    %broadcast_in_dim3A_502 = vector.broadcast %jit3A_501 : f32 to vector<256x128xf32>
    %select_n3A_503 = arith.select %gt3A_500, %select_n3A_344, %broadcast_in_dim3A_502 : vector<256x128xi1>, vector<256x128xf32>
    %gt3A_504 = arith.cmpf ogt, %select_n3A_348, %min3A_387 : vector<256x128xf32>
    %jit3A_505 = arith.constant 0x7F800000 : f32
    %broadcast_in_dim3A_506 = vector.broadcast %jit3A_505 : f32 to vector<256x128xf32>
    %select_n3A_507 = arith.select %gt3A_504, %select_n3A_348, %broadcast_in_dim3A_506 : vector<256x128xi1>, vector<256x128xf32>
    %gt3A_508 = arith.cmpf ogt, %select_n3A_352, %min3A_387 : vector<256x128xf32>
    %jit3A_509 = arith.constant 0x7F800000 : f32
    %broadcast_in_dim3A_510 = vector.broadcast %jit3A_509 : f32 to vector<256x128xf32>
    %select_n3A_511 = arith.select %gt3A_508, %select_n3A_352, %broadcast_in_dim3A_510 : vector<256x128xi1>, vector<256x128xf32>
    %gt3A_512 = arith.cmpf ogt, %select_n3A_356, %min3A_387 : vector<256x128xf32>
    %jit3A_513 = arith.constant 0x7F800000 : f32
    %broadcast_in_dim3A_514 = vector.broadcast %jit3A_513 : f32 to vector<256x128xf32>
    %select_n3A_515 = arith.select %gt3A_512, %select_n3A_356, %broadcast_in_dim3A_514 : vector<256x128xi1>, vector<256x128xf32>
    %min3A_516 = arith.minimumf %select_n3A_391, %select_n3A_395 : vector<256x128xf32>
    %min3A_517 = arith.minimumf %select_n3A_399, %select_n3A_403 : vector<256x128xf32>
    %min3A_518 = arith.minimumf %select_n3A_407, %select_n3A_411 : vector<256x128xf32>
    %min3A_519 = arith.minimumf %select_n3A_415, %select_n3A_419 : vector<256x128xf32>
    %min3A_520 = arith.minimumf %select_n3A_423, %select_n3A_427 : vector<256x128xf32>
    %min3A_521 = arith.minimumf %select_n3A_431, %select_n3A_435 : vector<256x128xf32>
    %min3A_522 = arith.minimumf %select_n3A_439, %select_n3A_443 : vector<256x128xf32>
    %min3A_523 = arith.minimumf %select_n3A_447, %select_n3A_451 : vector<256x128xf32>
    %min3A_524 = arith.minimumf %select_n3A_455, %select_n3A_459 : vector<256x128xf32>
    %min3A_525 = arith.minimumf %select_n3A_463, %select_n3A_467 : vector<256x128xf32>
    %min3A_526 = arith.minimumf %select_n3A_471, %select_n3A_475 : vector<256x128xf32>
    %min3A_527 = arith.minimumf %select_n3A_479, %select_n3A_483 : vector<256x128xf32>
    %min3A_528 = arith.minimumf %select_n3A_487, %select_n3A_491 : vector<256x128xf32>
    %min3A_529 = arith.minimumf %select_n3A_495, %select_n3A_499 : vector<256x128xf32>
    %min3A_530 = arith.minimumf %select_n3A_503, %select_n3A_507 : vector<256x128xf32>
    %min3A_531 = arith.minimumf %select_n3A_511, %select_n3A_515 : vector<256x128xf32>
    %min3A_532 = arith.minimumf %min3A_516, %min3A_517 : vector<256x128xf32>
    %min3A_533 = arith.minimumf %min3A_518, %min3A_519 : vector<256x128xf32>
    %min3A_534 = arith.minimumf %min3A_520, %min3A_521 : vector<256x128xf32>
    %min3A_535 = arith.minimumf %min3A_522, %min3A_523 : vector<256x128xf32>
    %min3A_536 = arith.minimumf %min3A_524, %min3A_525 : vector<256x128xf32>
    %min3A_537 = arith.minimumf %min3A_526, %min3A_527 : vector<256x128xf32>
    %min3A_538 = arith.minimumf %min3A_528, %min3A_529 : vector<256x128xf32>
    %min3A_539 = arith.minimumf %min3A_530, %min3A_531 : vector<256x128xf32>
    %min3A_540 = arith.minimumf %min3A_532, %min3A_533 : vector<256x128xf32>
    %min3A_541 = arith.minimumf %min3A_534, %min3A_535 : vector<256x128xf32>
    %min3A_542 = arith.minimumf %min3A_536, %min3A_537 : vector<256x128xf32>
    %min3A_543 = arith.minimumf %min3A_538, %min3A_539 : vector<256x128xf32>
    %min3A_544 = arith.minimumf %min3A_540, %min3A_541 : vector<256x128xf32>
    %min3A_545 = arith.minimumf %min3A_542, %min3A_543 : vector<256x128xf32>
    %min3A_546 = arith.minimumf %min3A_544, %min3A_545 : vector<256x128xf32>
    %min3A_547 = arith.minimumf %min3A_73, %min3A_228 : vector<256x128xf32>
    %min3A_548 = arith.minimumf %min3A_387, %min3A_546 : vector<256x128xf32>
    %min3A_549 = arith.minimumf %min3A_547, %min3A_548 : vector<256x128xf32>
    %reduce_min3A = arith.constant dense<0x7F800000> : vector<256xf32>
    %reduce_min3A_550 = vector.multi_reduction <minimumf>, %min3A_549, %reduce_min3A [1] : vector<256x128xf32> to vector<256xf32>
    %broadcast_in_dim3A_551 = vector.shape_cast %reduce_min3A_550 : vector<256xf32> to vector<256x1xf32>
    %gt3A_552 = vector.broadcast %broadcast_in_dim3A_551 : vector<256x1xf32> to vector<256x128xf32>
    %gt3A_553 = arith.cmpf ogt, %min3A_73, %gt3A_552 : vector<256x128xf32>
    %jit3A_554 = arith.constant 0x7F800000 : f32
    %broadcast_in_dim3A_555 = vector.broadcast %jit3A_554 : f32 to vector<256x128xf32>
    %select_n3A_556 = arith.select %gt3A_553, %min3A_73, %broadcast_in_dim3A_555 : vector<256x128xi1>, vector<256x128xf32>
    %gt3A_557 = vector.broadcast %broadcast_in_dim3A_551 : vector<256x1xf32> to vector<256x128xf32>
    %gt3A_558 = arith.cmpf ogt, %min3A_228, %gt3A_557 : vector<256x128xf32>
    %jit3A_559 = arith.constant 0x7F800000 : f32
    %broadcast_in_dim3A_560 = vector.broadcast %jit3A_559 : f32 to vector<256x128xf32>
    %select_n3A_561 = arith.select %gt3A_558, %min3A_228, %broadcast_in_dim3A_560 : vector<256x128xi1>, vector<256x128xf32>
    %gt3A_562 = vector.broadcast %broadcast_in_dim3A_551 : vector<256x1xf32> to vector<256x128xf32>
    %gt3A_563 = arith.cmpf ogt, %min3A_387, %gt3A_562 : vector<256x128xf32>
    %jit3A_564 = arith.constant 0x7F800000 : f32
    %broadcast_in_dim3A_565 = vector.broadcast %jit3A_564 : f32 to vector<256x128xf32>
    %select_n3A_566 = arith.select %gt3A_563, %min3A_387, %broadcast_in_dim3A_565 : vector<256x128xi1>, vector<256x128xf32>
    %gt3A_567 = vector.broadcast %broadcast_in_dim3A_551 : vector<256x1xf32> to vector<256x128xf32>
    %gt3A_568 = arith.cmpf ogt, %min3A_546, %gt3A_567 : vector<256x128xf32>
    %jit3A_569 = arith.constant 0x7F800000 : f32
    %broadcast_in_dim3A_570 = vector.broadcast %jit3A_569 : f32 to vector<256x128xf32>
    %select_n3A_571 = arith.select %gt3A_568, %min3A_546, %broadcast_in_dim3A_570 : vector<256x128xi1>, vector<256x128xf32>
    %min3A_572 = arith.minimumf %select_n3A_556, %select_n3A_561 : vector<256x128xf32>
    %min3A_573 = arith.minimumf %select_n3A_566, %select_n3A_571 : vector<256x128xf32>
    %min3A_574 = arith.minimumf %min3A_572, %min3A_573 : vector<256x128xf32>
    %reduce_min3A_575 = arith.constant dense<0x7F800000> : vector<256xf32>
    %reduce_min3A_576 = vector.multi_reduction <minimumf>, %min3A_574, %reduce_min3A_575 [1] : vector<256x128xf32> to vector<256xf32>
    %broadcast_in_dim3A_577 = vector.shape_cast %reduce_min3A_576 : vector<256xf32> to vector<256x1xf32>
    %gt3A_578 = vector.broadcast %broadcast_in_dim3A_577 : vector<256x1xf32> to vector<256x128xf32>
    %gt3A_579 = arith.cmpf ogt, %min3A_73, %gt3A_578 : vector<256x128xf32>
    %jit3A_580 = arith.constant 0x7F800000 : f32
    %broadcast_in_dim3A_581 = vector.broadcast %jit3A_580 : f32 to vector<256x128xf32>
    %select_n3A_582 = arith.select %gt3A_579, %min3A_73, %broadcast_in_dim3A_581 : vector<256x128xi1>, vector<256x128xf32>
    %gt3A_583 = vector.broadcast %broadcast_in_dim3A_577 : vector<256x1xf32> to vector<256x128xf32>
    %gt3A_584 = arith.cmpf ogt, %min3A_228, %gt3A_583 : vector<256x128xf32>
    %jit3A_585 = arith.constant 0x7F800000 : f32
    %broadcast_in_dim3A_586 = vector.broadcast %jit3A_585 : f32 to vector<256x128xf32>
    %select_n3A_587 = arith.select %gt3A_584, %min3A_228, %broadcast_in_dim3A_586 : vector<256x128xi1>, vector<256x128xf32>
    %gt3A_588 = vector.broadcast %broadcast_in_dim3A_577 : vector<256x1xf32> to vector<256x128xf32>
    %gt3A_589 = arith.cmpf ogt, %min3A_387, %gt3A_588 : vector<256x128xf32>
    %jit3A_590 = arith.constant 0x7F800000 : f32
    %broadcast_in_dim3A_591 = vector.broadcast %jit3A_590 : f32 to vector<256x128xf32>
    %select_n3A_592 = arith.select %gt3A_589, %min3A_387, %broadcast_in_dim3A_591 : vector<256x128xi1>, vector<256x128xf32>
    %gt3A_593 = vector.broadcast %broadcast_in_dim3A_577 : vector<256x1xf32> to vector<256x128xf32>
    %gt3A_594 = arith.cmpf ogt, %min3A_546, %gt3A_593 : vector<256x128xf32>
    %jit3A_595 = arith.constant 0x7F800000 : f32
    %broadcast_in_dim3A_596 = vector.broadcast %jit3A_595 : f32 to vector<256x128xf32>
    %select_n3A_597 = arith.select %gt3A_594, %min3A_546, %broadcast_in_dim3A_596 : vector<256x128xi1>, vector<256x128xf32>
    %min3A_598 = arith.minimumf %select_n3A_582, %select_n3A_587 : vector<256x128xf32>
    %min3A_599 = arith.minimumf %select_n3A_592, %select_n3A_597 : vector<256x128xf32>
    %min3A_600 = arith.minimumf %min3A_598, %min3A_599 : vector<256x128xf32>
    %reduce_min3A_601 = arith.constant dense<0x7F800000> : vector<256xf32>
    %reduce_min3A_602 = vector.multi_reduction <minimumf>, %min3A_600, %reduce_min3A_601 [1] : vector<256x128xf32> to vector<256xf32>
    %broadcast_in_dim3A_603 = vector.shape_cast %reduce_min3A_602 : vector<256xf32> to vector<256x1xf32>
    %gt3A_604 = vector.broadcast %broadcast_in_dim3A_603 : vector<256x1xf32> to vector<256x128xf32>
    %gt3A_605 = arith.cmpf ogt, %min3A_73, %gt3A_604 : vector<256x128xf32>
    %jit3A_606 = arith.constant 0x7F800000 : f32
    %broadcast_in_dim3A_607 = vector.broadcast %jit3A_606 : f32 to vector<256x128xf32>
    %select_n3A_608 = arith.select %gt3A_605, %min3A_73, %broadcast_in_dim3A_607 : vector<256x128xi1>, vector<256x128xf32>
    %gt3A_609 = vector.broadcast %broadcast_in_dim3A_603 : vector<256x1xf32> to vector<256x128xf32>
    %gt3A_610 = arith.cmpf ogt, %min3A_228, %gt3A_609 : vector<256x128xf32>
    %jit3A_611 = arith.constant 0x7F800000 : f32
    %broadcast_in_dim3A_612 = vector.broadcast %jit3A_611 : f32 to vector<256x128xf32>
    %select_n3A_613 = arith.select %gt3A_610, %min3A_228, %broadcast_in_dim3A_612 : vector<256x128xi1>, vector<256x128xf32>
    %gt3A_614 = vector.broadcast %broadcast_in_dim3A_603 : vector<256x1xf32> to vector<256x128xf32>
    %gt3A_615 = arith.cmpf ogt, %min3A_387, %gt3A_614 : vector<256x128xf32>
    %jit3A_616 = arith.constant 0x7F800000 : f32
    %broadcast_in_dim3A_617 = vector.broadcast %jit3A_616 : f32 to vector<256x128xf32>
    %select_n3A_618 = arith.select %gt3A_615, %min3A_387, %broadcast_in_dim3A_617 : vector<256x128xi1>, vector<256x128xf32>
    %gt3A_619 = vector.broadcast %broadcast_in_dim3A_603 : vector<256x1xf32> to vector<256x128xf32>
    %gt3A_620 = arith.cmpf ogt, %min3A_546, %gt3A_619 : vector<256x128xf32>
    %jit3A_621 = arith.constant 0x7F800000 : f32
    %broadcast_in_dim3A_622 = vector.broadcast %jit3A_621 : f32 to vector<256x128xf32>
    %select_n3A_623 = arith.select %gt3A_620, %min3A_546, %broadcast_in_dim3A_622 : vector<256x128xi1>, vector<256x128xf32>
    %min3A_624 = arith.minimumf %select_n3A_608, %select_n3A_613 : vector<256x128xf32>
    %min3A_625 = arith.minimumf %select_n3A_618, %select_n3A_623 : vector<256x128xf32>
    %min3A_626 = arith.minimumf %min3A_624, %min3A_625 : vector<256x128xf32>
    %reduce_min3A_627 = arith.constant dense<0x7F800000> : vector<256xf32>
    %reduce_min3A_628 = vector.multi_reduction <minimumf>, %min3A_626, %reduce_min3A_627 [1] : vector<256x128xf32> to vector<256xf32>
    %broadcast_in_dim3A_629 = vector.shape_cast %reduce_min3A_628 : vector<256xf32> to vector<256x1xf32>
    %gt3A_630 = vector.broadcast %broadcast_in_dim3A_629 : vector<256x1xf32> to vector<256x128xf32>
    %gt3A_631 = arith.cmpf ogt, %min3A_73, %gt3A_630 : vector<256x128xf32>
    %jit3A_632 = arith.constant 0x7F800000 : f32
    %broadcast_in_dim3A_633 = vector.broadcast %jit3A_632 : f32 to vector<256x128xf32>
    %select_n3A_634 = arith.select %gt3A_631, %min3A_73, %broadcast_in_dim3A_633 : vector<256x128xi1>, vector<256x128xf32>
    %gt3A_635 = vector.broadcast %broadcast_in_dim3A_629 : vector<256x1xf32> to vector<256x128xf32>
    %gt3A_636 = arith.cmpf ogt, %min3A_228, %gt3A_635 : vector<256x128xf32>
    %jit3A_637 = arith.constant 0x7F800000 : f32
    %broadcast_in_dim3A_638 = vector.broadcast %jit3A_637 : f32 to vector<256x128xf32>
    %select_n3A_639 = arith.select %gt3A_636, %min3A_228, %broadcast_in_dim3A_638 : vector<256x128xi1>, vector<256x128xf32>
    %gt3A_640 = vector.broadcast %broadcast_in_dim3A_629 : vector<256x1xf32> to vector<256x128xf32>
    %gt3A_641 = arith.cmpf ogt, %min3A_387, %gt3A_640 : vector<256x128xf32>
    %jit3A_642 = arith.constant 0x7F800000 : f32
    %broadcast_in_dim3A_643 = vector.broadcast %jit3A_642 : f32 to vector<256x128xf32>
    %select_n3A_644 = arith.select %gt3A_641, %min3A_387, %broadcast_in_dim3A_643 : vector<256x128xi1>, vector<256x128xf32>
    %gt3A_645 = vector.broadcast %broadcast_in_dim3A_629 : vector<256x1xf32> to vector<256x128xf32>
    %gt3A_646 = arith.cmpf ogt, %min3A_546, %gt3A_645 : vector<256x128xf32>
    %jit3A_647 = arith.constant 0x7F800000 : f32
    %broadcast_in_dim3A_648 = vector.broadcast %jit3A_647 : f32 to vector<256x128xf32>
    %select_n3A_649 = arith.select %gt3A_646, %min3A_546, %broadcast_in_dim3A_648 : vector<256x128xi1>, vector<256x128xf32>
    %min3A_650 = arith.minimumf %select_n3A_634, %select_n3A_639 : vector<256x128xf32>
    %min3A_651 = arith.minimumf %select_n3A_644, %select_n3A_649 : vector<256x128xf32>
    %min3A_652 = arith.minimumf %min3A_650, %min3A_651 : vector<256x128xf32>
    %reduce_min3A_653 = arith.constant dense<0x7F800000> : vector<256xf32>
    %reduce_min3A_654 = vector.multi_reduction <minimumf>, %min3A_652, %reduce_min3A_653 [1] : vector<256x128xf32> to vector<256xf32>
    %broadcast_in_dim3A_655 = vector.shape_cast %reduce_min3A_654 : vector<256xf32> to vector<256x1xf32>
    %gt3A_656 = vector.broadcast %broadcast_in_dim3A_655 : vector<256x1xf32> to vector<256x128xf32>
    %gt3A_657 = arith.cmpf ogt, %min3A_73, %gt3A_656 : vector<256x128xf32>
    %jit3A_658 = arith.constant 0x7F800000 : f32
    %broadcast_in_dim3A_659 = vector.broadcast %jit3A_658 : f32 to vector<256x128xf32>
    %select_n3A_660 = arith.select %gt3A_657, %min3A_73, %broadcast_in_dim3A_659 : vector<256x128xi1>, vector<256x128xf32>
    %gt3A_661 = vector.broadcast %broadcast_in_dim3A_655 : vector<256x1xf32> to vector<256x128xf32>
    %gt3A_662 = arith.cmpf ogt, %min3A_228, %gt3A_661 : vector<256x128xf32>
    %jit3A_663 = arith.constant 0x7F800000 : f32
    %broadcast_in_dim3A_664 = vector.broadcast %jit3A_663 : f32 to vector<256x128xf32>
    %select_n3A_665 = arith.select %gt3A_662, %min3A_228, %broadcast_in_dim3A_664 : vector<256x128xi1>, vector<256x128xf32>
    %gt3A_666 = vector.broadcast %broadcast_in_dim3A_655 : vector<256x1xf32> to vector<256x128xf32>
    %gt3A_667 = arith.cmpf ogt, %min3A_387, %gt3A_666 : vector<256x128xf32>
    %jit3A_668 = arith.constant 0x7F800000 : f32
    %broadcast_in_dim3A_669 = vector.broadcast %jit3A_668 : f32 to vector<256x128xf32>
    %select_n3A_670 = arith.select %gt3A_667, %min3A_387, %broadcast_in_dim3A_669 : vector<256x128xi1>, vector<256x128xf32>
    %gt3A_671 = vector.broadcast %broadcast_in_dim3A_655 : vector<256x1xf32> to vector<256x128xf32>
    %gt3A_672 = arith.cmpf ogt, %min3A_546, %gt3A_671 : vector<256x128xf32>
    %jit3A_673 = arith.constant 0x7F800000 : f32
    %broadcast_in_dim3A_674 = vector.broadcast %jit3A_673 : f32 to vector<256x128xf32>
    %select_n3A_675 = arith.select %gt3A_672, %min3A_546, %broadcast_in_dim3A_674 : vector<256x128xi1>, vector<256x128xf32>
    %min3A_676 = arith.minimumf %select_n3A_660, %select_n3A_665 : vector<256x128xf32>
    %min3A_677 = arith.minimumf %select_n3A_670, %select_n3A_675 : vector<256x128xf32>
    %min3A_678 = arith.minimumf %min3A_676, %min3A_677 : vector<256x128xf32>
    %reduce_min3A_679 = arith.constant dense<0x7F800000> : vector<256xf32>
    %reduce_min3A_680 = vector.multi_reduction <minimumf>, %min3A_678, %reduce_min3A_679 [1] : vector<256x128xf32> to vector<256xf32>
    %broadcast_in_dim3A_681 = vector.shape_cast %reduce_min3A_680 : vector<256xf32> to vector<256x1xf32>
    %gt3A_682 = vector.broadcast %broadcast_in_dim3A_681 : vector<256x1xf32> to vector<256x128xf32>
    %gt3A_683 = arith.cmpf ogt, %min3A_73, %gt3A_682 : vector<256x128xf32>
    %jit3A_684 = arith.constant 0x7F800000 : f32
    %broadcast_in_dim3A_685 = vector.broadcast %jit3A_684 : f32 to vector<256x128xf32>
    %select_n3A_686 = arith.select %gt3A_683, %min3A_73, %broadcast_in_dim3A_685 : vector<256x128xi1>, vector<256x128xf32>
    %gt3A_687 = vector.broadcast %broadcast_in_dim3A_681 : vector<256x1xf32> to vector<256x128xf32>
    %gt3A_688 = arith.cmpf ogt, %min3A_228, %gt3A_687 : vector<256x128xf32>
    %jit3A_689 = arith.constant 0x7F800000 : f32
    %broadcast_in_dim3A_690 = vector.broadcast %jit3A_689 : f32 to vector<256x128xf32>
    %select_n3A_691 = arith.select %gt3A_688, %min3A_228, %broadcast_in_dim3A_690 : vector<256x128xi1>, vector<256x128xf32>
    %gt3A_692 = vector.broadcast %broadcast_in_dim3A_681 : vector<256x1xf32> to vector<256x128xf32>
    %gt3A_693 = arith.cmpf ogt, %min3A_387, %gt3A_692 : vector<256x128xf32>
    %jit3A_694 = arith.constant 0x7F800000 : f32
    %broadcast_in_dim3A_695 = vector.broadcast %jit3A_694 : f32 to vector<256x128xf32>
    %select_n3A_696 = arith.select %gt3A_693, %min3A_387, %broadcast_in_dim3A_695 : vector<256x128xi1>, vector<256x128xf32>
    %gt3A_697 = vector.broadcast %broadcast_in_dim3A_681 : vector<256x1xf32> to vector<256x128xf32>
    %gt3A_698 = arith.cmpf ogt, %min3A_546, %gt3A_697 : vector<256x128xf32>
    %jit3A_699 = arith.constant 0x7F800000 : f32
    %broadcast_in_dim3A_700 = vector.broadcast %jit3A_699 : f32 to vector<256x128xf32>
    %select_n3A_701 = arith.select %gt3A_698, %min3A_546, %broadcast_in_dim3A_700 : vector<256x128xi1>, vector<256x128xf32>
    %min3A_702 = arith.minimumf %select_n3A_686, %select_n3A_691 : vector<256x128xf32>
    %min3A_703 = arith.minimumf %select_n3A_696, %select_n3A_701 : vector<256x128xf32>
    %min3A_704 = arith.minimumf %min3A_702, %min3A_703 : vector<256x128xf32>
    %reduce_min3A_705 = arith.constant dense<0x7F800000> : vector<256xf32>
    %reduce_min3A_706 = vector.multi_reduction <minimumf>, %min3A_704, %reduce_min3A_705 [1] : vector<256x128xf32> to vector<256xf32>
    %broadcast_in_dim3A_707 = vector.shape_cast %reduce_min3A_706 : vector<256xf32> to vector<256x1xf32>
    %gt3A_708 = vector.broadcast %broadcast_in_dim3A_707 : vector<256x1xf32> to vector<256x128xf32>
    %gt3A_709 = arith.cmpf ogt, %min3A_73, %gt3A_708 : vector<256x128xf32>
    %jit3A_710 = arith.constant 0x7F800000 : f32
    %broadcast_in_dim3A_711 = vector.broadcast %jit3A_710 : f32 to vector<256x128xf32>
    %select_n3A_712 = arith.select %gt3A_709, %min3A_73, %broadcast_in_dim3A_711 : vector<256x128xi1>, vector<256x128xf32>
    %gt3A_713 = vector.broadcast %broadcast_in_dim3A_707 : vector<256x1xf32> to vector<256x128xf32>
    %gt3A_714 = arith.cmpf ogt, %min3A_228, %gt3A_713 : vector<256x128xf32>
    %jit3A_715 = arith.constant 0x7F800000 : f32
    %broadcast_in_dim3A_716 = vector.broadcast %jit3A_715 : f32 to vector<256x128xf32>
    %select_n3A_717 = arith.select %gt3A_714, %min3A_228, %broadcast_in_dim3A_716 : vector<256x128xi1>, vector<256x128xf32>
    %gt3A_718 = vector.broadcast %broadcast_in_dim3A_707 : vector<256x1xf32> to vector<256x128xf32>
    %gt3A_719 = arith.cmpf ogt, %min3A_387, %gt3A_718 : vector<256x128xf32>
    %jit3A_720 = arith.constant 0x7F800000 : f32
    %broadcast_in_dim3A_721 = vector.broadcast %jit3A_720 : f32 to vector<256x128xf32>
    %select_n3A_722 = arith.select %gt3A_719, %min3A_387, %broadcast_in_dim3A_721 : vector<256x128xi1>, vector<256x128xf32>
    %gt3A_723 = vector.broadcast %broadcast_in_dim3A_707 : vector<256x1xf32> to vector<256x128xf32>
    %gt3A_724 = arith.cmpf ogt, %min3A_546, %gt3A_723 : vector<256x128xf32>
    %jit3A_725 = arith.constant 0x7F800000 : f32
    %broadcast_in_dim3A_726 = vector.broadcast %jit3A_725 : f32 to vector<256x128xf32>
    %select_n3A_727 = arith.select %gt3A_724, %min3A_546, %broadcast_in_dim3A_726 : vector<256x128xi1>, vector<256x128xf32>
    %min3A_728 = arith.minimumf %select_n3A_712, %select_n3A_717 : vector<256x128xf32>
    %min3A_729 = arith.minimumf %select_n3A_722, %select_n3A_727 : vector<256x128xf32>
    %min3A_730 = arith.minimumf %min3A_728, %min3A_729 : vector<256x128xf32>
    %reduce_min3A_731 = arith.constant dense<0x7F800000> : vector<256xf32>
    %reduce_min3A_732 = vector.multi_reduction <minimumf>, %min3A_730, %reduce_min3A_731 [1] : vector<256x128xf32> to vector<256xf32>
    %broadcast_in_dim3A_733 = vector.shape_cast %reduce_min3A_732 : vector<256xf32> to vector<256x1xf32>
    %gt3A_734 = vector.broadcast %broadcast_in_dim3A_733 : vector<256x1xf32> to vector<256x128xf32>
    %gt3A_735 = arith.cmpf ogt, %min3A_73, %gt3A_734 : vector<256x128xf32>
    %jit3A_736 = arith.constant 0x7F800000 : f32
    %broadcast_in_dim3A_737 = vector.broadcast %jit3A_736 : f32 to vector<256x128xf32>
    %select_n3A_738 = arith.select %gt3A_735, %min3A_73, %broadcast_in_dim3A_737 : vector<256x128xi1>, vector<256x128xf32>
    %gt3A_739 = vector.broadcast %broadcast_in_dim3A_733 : vector<256x1xf32> to vector<256x128xf32>
    %gt3A_740 = arith.cmpf ogt, %min3A_228, %gt3A_739 : vector<256x128xf32>
    %jit3A_741 = arith.constant 0x7F800000 : f32
    %broadcast_in_dim3A_742 = vector.broadcast %jit3A_741 : f32 to vector<256x128xf32>
    %select_n3A_743 = arith.select %gt3A_740, %min3A_228, %broadcast_in_dim3A_742 : vector<256x128xi1>, vector<256x128xf32>
    %gt3A_744 = vector.broadcast %broadcast_in_dim3A_733 : vector<256x1xf32> to vector<256x128xf32>
    %gt3A_745 = arith.cmpf ogt, %min3A_387, %gt3A_744 : vector<256x128xf32>
    %jit3A_746 = arith.constant 0x7F800000 : f32
    %broadcast_in_dim3A_747 = vector.broadcast %jit3A_746 : f32 to vector<256x128xf32>
    %select_n3A_748 = arith.select %gt3A_745, %min3A_387, %broadcast_in_dim3A_747 : vector<256x128xi1>, vector<256x128xf32>
    %gt3A_749 = vector.broadcast %broadcast_in_dim3A_733 : vector<256x1xf32> to vector<256x128xf32>
    %gt3A_750 = arith.cmpf ogt, %min3A_546, %gt3A_749 : vector<256x128xf32>
    %jit3A_751 = arith.constant 0x7F800000 : f32
    %broadcast_in_dim3A_752 = vector.broadcast %jit3A_751 : f32 to vector<256x128xf32>
    %select_n3A_753 = arith.select %gt3A_750, %min3A_546, %broadcast_in_dim3A_752 : vector<256x128xi1>, vector<256x128xf32>
    %min3A_754 = arith.minimumf %select_n3A_738, %select_n3A_743 : vector<256x128xf32>
    %min3A_755 = arith.minimumf %select_n3A_748, %select_n3A_753 : vector<256x128xf32>
    %min3A_756 = arith.minimumf %min3A_754, %min3A_755 : vector<256x128xf32>
    %reduce_min3A_757 = arith.constant dense<0x7F800000> : vector<256xf32>
    %reduce_min3A_758 = vector.multi_reduction <minimumf>, %min3A_756, %reduce_min3A_757 [1] : vector<256x128xf32> to vector<256xf32>
    %broadcast_in_dim3A_759 = vector.shape_cast %reduce_min3A_758 : vector<256xf32> to vector<256x1xf32>
    %gt3A_760 = vector.broadcast %broadcast_in_dim3A_759 : vector<256x1xf32> to vector<256x128xf32>
    %gt3A_761 = arith.cmpf ogt, %min3A_73, %gt3A_760 : vector<256x128xf32>
    %jit3A_762 = arith.constant 0x7F800000 : f32
    %broadcast_in_dim3A_763 = vector.broadcast %jit3A_762 : f32 to vector<256x128xf32>
    %select_n3A_764 = arith.select %gt3A_761, %min3A_73, %broadcast_in_dim3A_763 : vector<256x128xi1>, vector<256x128xf32>
    %gt3A_765 = vector.broadcast %broadcast_in_dim3A_759 : vector<256x1xf32> to vector<256x128xf32>
    %gt3A_766 = arith.cmpf ogt, %min3A_228, %gt3A_765 : vector<256x128xf32>
    %jit3A_767 = arith.constant 0x7F800000 : f32
    %broadcast_in_dim3A_768 = vector.broadcast %jit3A_767 : f32 to vector<256x128xf32>
    %select_n3A_769 = arith.select %gt3A_766, %min3A_228, %broadcast_in_dim3A_768 : vector<256x128xi1>, vector<256x128xf32>
    %gt3A_770 = vector.broadcast %broadcast_in_dim3A_759 : vector<256x1xf32> to vector<256x128xf32>
    %gt3A_771 = arith.cmpf ogt, %min3A_387, %gt3A_770 : vector<256x128xf32>
    %jit3A_772 = arith.constant 0x7F800000 : f32
    %broadcast_in_dim3A_773 = vector.broadcast %jit3A_772 : f32 to vector<256x128xf32>
    %select_n3A_774 = arith.select %gt3A_771, %min3A_387, %broadcast_in_dim3A_773 : vector<256x128xi1>, vector<256x128xf32>
    %gt3A_775 = vector.broadcast %broadcast_in_dim3A_759 : vector<256x1xf32> to vector<256x128xf32>
    %gt3A_776 = arith.cmpf ogt, %min3A_546, %gt3A_775 : vector<256x128xf32>
    %jit3A_777 = arith.constant 0x7F800000 : f32
    %broadcast_in_dim3A_778 = vector.broadcast %jit3A_777 : f32 to vector<256x128xf32>
    %select_n3A_779 = arith.select %gt3A_776, %min3A_546, %broadcast_in_dim3A_778 : vector<256x128xi1>, vector<256x128xf32>
    %min3A_780 = arith.minimumf %select_n3A_764, %select_n3A_769 : vector<256x128xf32>
    %min3A_781 = arith.minimumf %select_n3A_774, %select_n3A_779 : vector<256x128xf32>
    %min3A_782 = arith.minimumf %min3A_780, %min3A_781 : vector<256x128xf32>
    %reduce_min3A_783 = arith.constant dense<0x7F800000> : vector<256xf32>
    %reduce_min3A_784 = vector.multi_reduction <minimumf>, %min3A_782, %reduce_min3A_783 [1] : vector<256x128xf32> to vector<256xf32>
    %broadcast_in_dim3A_785 = vector.shape_cast %reduce_min3A_784 : vector<256xf32> to vector<256x1xf32>
    %gt3A_786 = vector.broadcast %broadcast_in_dim3A_785 : vector<256x1xf32> to vector<256x128xf32>
    %gt3A_787 = arith.cmpf ogt, %min3A_73, %gt3A_786 : vector<256x128xf32>
    %jit3A_788 = arith.constant 0x7F800000 : f32
    %broadcast_in_dim3A_789 = vector.broadcast %jit3A_788 : f32 to vector<256x128xf32>
    %select_n3A_790 = arith.select %gt3A_787, %min3A_73, %broadcast_in_dim3A_789 : vector<256x128xi1>, vector<256x128xf32>
    %gt3A_791 = vector.broadcast %broadcast_in_dim3A_785 : vector<256x1xf32> to vector<256x128xf32>
    %gt3A_792 = arith.cmpf ogt, %min3A_228, %gt3A_791 : vector<256x128xf32>
    %jit3A_793 = arith.constant 0x7F800000 : f32
    %broadcast_in_dim3A_794 = vector.broadcast %jit3A_793 : f32 to vector<256x128xf32>
    %select_n3A_795 = arith.select %gt3A_792, %min3A_228, %broadcast_in_dim3A_794 : vector<256x128xi1>, vector<256x128xf32>
    %gt3A_796 = vector.broadcast %broadcast_in_dim3A_785 : vector<256x1xf32> to vector<256x128xf32>
    %gt3A_797 = arith.cmpf ogt, %min3A_387, %gt3A_796 : vector<256x128xf32>
    %jit3A_798 = arith.constant 0x7F800000 : f32
    %broadcast_in_dim3A_799 = vector.broadcast %jit3A_798 : f32 to vector<256x128xf32>
    %select_n3A_800 = arith.select %gt3A_797, %min3A_387, %broadcast_in_dim3A_799 : vector<256x128xi1>, vector<256x128xf32>
    %gt3A_801 = vector.broadcast %broadcast_in_dim3A_785 : vector<256x1xf32> to vector<256x128xf32>
    %gt3A_802 = arith.cmpf ogt, %min3A_546, %gt3A_801 : vector<256x128xf32>
    %jit3A_803 = arith.constant 0x7F800000 : f32
    %broadcast_in_dim3A_804 = vector.broadcast %jit3A_803 : f32 to vector<256x128xf32>
    %select_n3A_805 = arith.select %gt3A_802, %min3A_546, %broadcast_in_dim3A_804 : vector<256x128xi1>, vector<256x128xf32>
    %min3A_806 = arith.minimumf %select_n3A_790, %select_n3A_795 : vector<256x128xf32>
    %min3A_807 = arith.minimumf %select_n3A_800, %select_n3A_805 : vector<256x128xf32>
    %min3A_808 = arith.minimumf %min3A_806, %min3A_807 : vector<256x128xf32>
    %reduce_min3A_809 = arith.constant dense<0x7F800000> : vector<256xf32>
    %reduce_min3A_810 = vector.multi_reduction <minimumf>, %min3A_808, %reduce_min3A_809 [1] : vector<256x128xf32> to vector<256xf32>
    %broadcast_in_dim3A_811 = vector.shape_cast %reduce_min3A_810 : vector<256xf32> to vector<256x1xf32>
    %gt3A_812 = vector.broadcast %broadcast_in_dim3A_551 : vector<256x1xf32> to vector<256x4096xf32>
    %gt3A_813 = arith.cmpf ogt, %sub3A_7, %gt3A_812 : vector<256x4096xf32>
    %le3A = vector.broadcast %broadcast_in_dim3A_811 : vector<256x1xf32> to vector<256x4096xf32>
    %le3A_814 = arith.cmpf ole, %sub3A_7, %le3A : vector<256x4096xf32>
    %and3A = arith.andi %gt3A_813, %le3A_814 : vector<256x4096xi1>
    %mul3A = arith.constant -1.000000e+01 : f32
    %mul3A_815 = vector.broadcast %mul3A : f32 to vector<256x4096xf32>
    %mul3A_816 = arith.mulf %sub3A_7, %mul3A_815 : vector<256x4096xf32>
    %exp3A = math.exp %mul3A_816 : vector<256x4096xf32>
    %mul3A_817 = arith.constant -1.000000e+01 : f32
    %mul3A_818 = vector.broadcast %mul3A_817 : f32 to vector<256x4096xf32>
    %mul3A_819 = arith.mulf %bitcast_convert_type3A_12, %mul3A_818 : vector<256x4096xf32>
    %exp3A_820 = math.exp %mul3A_819 : vector<256x4096xf32>
    %jit3A_821 = arith.constant 0.000000e+00 : f32
    %broadcast_in_dim3A_822 = vector.broadcast %jit3A_821 : f32 to vector<256x4096xf32>
    %select_n3A_823 = arith.select %and3A, %exp3A, %broadcast_in_dim3A_822 : vector<256x4096xi1>, vector<256x4096xf32>
    %broadcast_in_dim3A_824 = arith.constant 1.000000e+00 : f32
    %broadcast_in_dim3A_825 = vector.broadcast %broadcast_in_dim3A_824 : f32 to vector<4096x1xf32>
    %dot_general3A_826 = arith.constant dense<0.000000e+00> : vector<256x1xf32>
    %dot_general3A_827 = tpu.matmul %select_n3A_823, %broadcast_in_dim3A_825, %dot_general3A_826 {dimension_numbers = #tpu.dot_dimension_numbers<[1], [0], [0], [1], [0, 0, 1, 1], [], []>, transpose_lhs_hint = false} : vector<256x4096xf32>, vector<4096x1xf32>, vector<256x1xf32> -> vector<256x1xf32>
    %mul3A_828 = arith.mulf %select_n3A_823, %sub3A_7 : vector<256x4096xf32>
    %dot_general3A_829 = arith.constant dense<0.000000e+00> : vector<256x1xf32>
    %dot_general3A_830 = tpu.matmul %mul3A_828, %broadcast_in_dim3A_825, %dot_general3A_829 {dimension_numbers = #tpu.dot_dimension_numbers<[1], [0], [0], [1], [0, 0, 1, 1], [], []>, transpose_lhs_hint = false} : vector<256x4096xf32>, vector<4096x1xf32>, vector<256x1xf32> -> vector<256x1xf32>
    %mul3A_831 = arith.mulf %select_n3A_823, %bitcast_convert_type3A_12 : vector<256x4096xf32>
    %dot_general3A_832 = arith.constant dense<0.000000e+00> : vector<256x1xf32>
    %dot_general3A_833 = tpu.matmul %mul3A_831, %broadcast_in_dim3A_825, %dot_general3A_832 {dimension_numbers = #tpu.dot_dimension_numbers<[1], [0], [0], [1], [0, 0, 1, 1], [], []>, transpose_lhs_hint = false} : vector<256x4096xf32>, vector<4096x1xf32>, vector<256x1xf32> -> vector<256x1xf32>
    %jit3A_834 = arith.constant 0.000000e+00 : f32
    %broadcast_in_dim3A_835 = vector.broadcast %jit3A_834 : f32 to vector<256x4096xf32>
    %select_n3A_836 = arith.select %and3A, %exp3A_820, %broadcast_in_dim3A_835 : vector<256x4096xi1>, vector<256x4096xf32>
    %dot_general3A_837 = arith.constant dense<0.000000e+00> : vector<256x1xf32>
    %dot_general3A_838 = tpu.matmul %select_n3A_836, %broadcast_in_dim3A_825, %dot_general3A_837 {dimension_numbers = #tpu.dot_dimension_numbers<[1], [0], [0], [1], [0, 0, 1, 1], [], []>, transpose_lhs_hint = false} : vector<256x4096xf32>, vector<4096x1xf32>, vector<256x1xf32> -> vector<256x1xf32>
    %sub3A_839 = arith.subf %dot_general3A_833, %dot_general3A_830 : vector<256x1xf32>
    %mul3A_840 = arith.constant 1.000000e-01 : f32
    %mul3A_841 = vector.broadcast %mul3A_840 : f32 to vector<256x1xf32>
    %mul3A_842 = arith.mulf %mul3A_841, %dot_general3A_827 : vector<256x1xf32>
    %div3A = arith.divf %sub3A_839, %mul3A_842 : vector<256x1xf32>
    %log3A = math.log %dot_general3A_827 : vector<256x1xf32>
    %sub3A_843 = arith.subf %div3A, %log3A : vector<256x1xf32>
    %log3A_844 = math.log %dot_general3A_838 : vector<256x1xf32>
    %add3A = arith.addf %sub3A_843, %log3A_844 : vector<256x1xf32>
    %reduce_sum3A = vector.shape_cast %add3A : vector<256x1xf32> to vector<1x256x1xf32>
    %reduce_sum3A_845 = arith.constant dense<0.000000e+00> : vector<1xf32>
    %reduce_sum3A_846 = vector.multi_reduction <add>, %reduce_sum3A, %reduce_sum3A_845 [1, 2] : vector<1x256x1xf32> to vector<1xf32>
    %reduce_sum3A_847 = vector.shape_cast %reduce_sum3A_846 : vector<1xf32> to vector<1x1x1xf32>
    %reduce_sum3A_848 = vector.extract %reduce_sum3A_847[0, 0, 0] : f32 from vector<1x1x1xf32>
    %eq3A = arith.constant 0 : i32
    %eq3A_849 = arith.cmpi eq, %arg0, %eq3A : i32
    %convert_element_type3A = arith.extui %eq3A_849 : i1 to i32
    %cond3A = arith.constant 0 : i32
    %cond3A_850 = arith.cmpi ne, %convert_element_type3A, %cond3A : i32
    scf.if %cond3A_850 {
      %broadcast_in_dim3A_858 = arith.constant 0.000000e+00 : f32
      %broadcast_in_dim3A_859 = vector.broadcast %broadcast_in_dim3A_858 : f32 to vector<1x1xf32>
      %swap3A_860 = arith.constant 0 : index
      %swap3A_861 = arith.constant 0 : index
      %swap3A_862 = vector.load %arg4[%swap3A_860, %swap3A_861] : memref<1x1xf32, #tpu.memory_space<vmem>>, vector<1x1xf32>
      tpu.vector_store %arg4[%swap3A_860, %swap3A_861], %broadcast_in_dim3A_859 {strides = array<i32>} : memref<1x1xf32, #tpu.memory_space<vmem>>, vector<1x1xf32>,
    } else {
    }
    %get3A_851 = arith.constant 0 : index
    %get3A_852 = arith.constant 0 : index
    %get3A_853 = vector.load %arg4[%get3A_851, %get3A_852] : memref<1x1xf32, #tpu.memory_space<vmem>>, vector<1x1xf32>
    %reshape3A_854 = vector.broadcast %reduce_sum3A_848 : f32 to vector<1x1xf32>
    %add3A_855 = arith.addf %get3A_853, %reshape3A_854 : vector<1x1xf32>
    %swap3A = arith.constant 0 : index
    %swap3A_856 = arith.constant 0 : index
    %swap3A_857 = vector.load %arg4[%swap3A, %swap3A_856] : memref<1x1xf32, #tpu.memory_space<vmem>>, vector<1x1xf32>
    tpu.vector_store %arg4[%swap3A, %swap3A_856], %add3A_855 {strides = array<i32>} : memref<1x1xf32, #tpu.memory_space<vmem>>, vector<1x1xf32>,
    return
  }
  func.func @transform_0(%arg0: i32) -> (i32, i32) {
    %c0_i32 = arith.constant 0 : i32
    %c0_i32_0 = arith.constant 0 : i32
    return %arg0, %c0_i32 : i32, i32
  }
  func.func @transform_1(%arg0: i32) -> (i32, i32) {
    %c0_i32 = arith.constant 0 : i32
    %c0_i32_0 = arith.constant 0 : i32
    %c0_i32_1 = arith.constant 0 : i32
    return %c0_i32, %c0_i32_0 : i32, i32
  }
  func.func @transform_2(%arg0: i32) -> i32 {
    %c0_i32 = arith.constant 0 : i32
    return %arg0 : i32
  }
  func.func @transform_3(%arg0: i32) -> (i32, i32) {
    %c0_i32 = arith.constant 0 : i32
    %c0_i32_0 = arith.constant 0 : i32
    %c0_i32_1 = arith.constant 0 : i32
    return %c0_i32, %c0_i32_0 : i32, i32
  }
}

</mosaic_0001>

<sc_bundles>
// kernel: kernel.5.cloned.1.call-start
scs
__scs_entry_jumppad:
0x0: {  	(pc) =	sbr.rel $0x88, $3  }
0x1: {  	(tag) =	ssettag $0x0;
	lr =	simm.s32 $0x1  }
0x2: {  	[smem:$0x3F9F] =	sst lr;
	_ =	strace $0xD0000000  }
0x3: {  	_ = 	snop  }
0x4: {  	_ = 	snop  }
0x5: {  	_ = 	snop  }
0x6: {  	_ = 	snop  }
0x7: {  	_ = 	snop  }
__scs_overlays_trampoline_lowered:
0x8: {  	[smem:$0x3FAE] =	sst s0  }
0x9: {  	[smem:$0x3FAF] =	sst s1  }
0xa: {  	[smem:$0x3FB0] =	sst s2  }
0xb: {  	[smem:$0x3FB1] =	sst s3  }
0xc: {  	[smem:$0x3FB2] =	sst s4  }
0xd: {  	[smem:$0x3FB3] =	sst s5  }
0xe: {  	[smem:$0x3FB4] =	sst s6  }
0xf: {  	[smem:$0x3FB5] =	sst s7  }
0x10: {  	[smem:$0x3FB6] =	sst s8  }
0x11: {  	[smem:$0x3FB7] =	sst s9;
	s0 =	simm.s32 @!p0 $0x0  }
0x12: {  	s1 =	sld [smem:$0x3F9D];
	s0 =	simm.s32 @p0 $0x1  }
0x13: {  	[smem:$0x3FB8] =	sst s0;
	s0 =	simm.s32 @!p1 $0x0  }
0x14: {  	s2 =	sld [smem:$0x3F9C];
	s0 =	simm.s32 @p1 $0x1  }
0x15: {  	[smem:$0x3FB9] =	sst s0;
	s0 =	simm.s32 @!p2 $0x0  }
0x16: {  	s3 =	sld [smem:$0x3FDB];
	s0 =	simm.s32 @p2 $0x1  }
0x17: {  	s4 =	simm.s32 $0x1BF5;
	[smem:$0x3FBB] =	sst s0  }
0x18: {  	s0 =	sld [smem:$0x3F9E];
	_ =	swait.ge [sflag:s4], $0x0  }
0x19: {  	s7 =	sld [smem:$0x3F9F]  }
0x1a: {  	s8 =	sadd.s32 $0xFFFFE003, lr  }
0x1b: {  	s9 =	sadd.s32 $0xFFFFFEF7, lr;
	s5 =	simm.s32 $0xFFFFFFFF;
	p2 =	slt.u32 s8, $0xFFFFF086  }
0x1c: {  	p1 =	slt.u32 s9, $0xF7A;
	s5 =	simm.s32 @!p2 $0x0  }
0x1d: {  	s5 =	simm.s32 @p1 $0x1;
	p0 =	seq.s32 s7, s2  }
0x1e: {  	s7 =	smul.u32 @!p0 $0xF7A, s2;
	p2 =	seq.s32 @!p0 s5, $0x0  }
0x1f: {  	s9 =	smul.u32 $0xF7A, s1;
	s8 =	simm.s32 @!p0 $0x1BF5;
	p2 =	por !p2, p0  }
0x20: {  	[sflag:s8] =	ssyncset.s32 @!p0 $0xFFFFF086;
	s6 =	sadd.s32 @!p0 s3, s7;
	s7 =	simm.s32 @!p0 $0x108  }
0x21: {  	s3 =	sadd.s32 s3, s9;
	s6 =	sadd.s32 @!p0 $0x88, s6;
	s7 =	simm.s32 @p2 $0x1082  }
0x22: {  	[simem:s7], [sflag:s8] =	dma.local @!p0 [hbm:s6], $0xF7A  }
0x23: {  	s9 =	sor.u32 $0xD0000000, s2;
	s6 =	simm.s32 $0x108;
	_ =	swait.ge @!p0 [sflag:s8], $0x0  }
0x24: {  	s3 =	sadd.s32 $0x88, s3;
	s6 =	simm.s32 @!p1 $0x1082;
	[sflag:s4] =	ssyncset.s32 $0xFFFFF086  }
0x25: {  	[simem:s6], [sflag:s4] =	dma.local [hbm:s3], $0xF7A  }
0x26: {  	[smem:$0x3F9F] =	sst s1;
	(tag) =	ssettag s2;
	_ =	strace s9  }
0x27: {  	s1 =	sld [smem:$0x3FAF]  }
0x28: {  	s2 =	sld [smem:$0x3FB0]  }
0x29: {  	s4 =	sld [smem:$0x3FB2]  }
0x2a: {  	p0 =	seq.s32 s5, $0x0;
	s5 =	sld [smem:$0x3FB3]  }
0x2b: {  	s6 =	sld [smem:$0x3FB4]  }
0x2c: {  	s7 =	sld [smem:$0x3FB5]  }
0x2d: {  	s3 =	simm.s32 $0x108;
	s8 =	sld [smem:$0x3FB6]  }
0x2e: {  	s3 =	simm.s32 @!p0 $0x1082;
	s9 =	sld [smem:$0x3FB7]  }
0x2f: {  	lr =	sadd.s32 s0, s3;
	s0 =	sld [smem:$0x3FAE]  }
0x30: {  	s3 =	sld [smem:$0x3FB1]  }
0x31: {  	[smem:$0x3FBA] =	sst s10  }
0x32: {  	s10 =	sld [smem:$0x3FB8];
	_ =	sdelay $0x3  }
0x33: {  	p0 =	seq.s32 s10, $0x1;
	s10 =	sld [smem:$0x3FBA];
	_ =	sdelay $0x3  }
0x34: {  	[smem:$0x3FBA] =	sst s10  }
0x35: {  	s10 =	sld [smem:$0x3FB9];
	_ =	sdelay $0x3  }
0x36: {  	p1 =	seq.s32 s10, $0x1;
	s10 =	sld [smem:$0x3FBA];
	_ =	sdelay $0x3  }
0x37: {  	[smem:$0x3FBA] =	sst s10  }
0x38: {  	s10 =	sld [smem:$0x3FBB]  }
0x39: {  	_ = 	snop;
	(pc) =	sbr.ind lr, $3  }
0x3a: {  	_ = 	snop  }
0x3b: {  	_ = 	snop  }
0x3c: {  	p2 =	seq.s32 s10, $0x1;
	s10 =	sld [smem:$0x3FBA]  }
0x3d: {  	_ =	shalt  }
0x3e: {  	_ =	shalt  }
0x3f: {  	_ =	shalt  }
0x40: {  	_ =	shalt  }
0x41: {  	_ =	shalt  }
0x42: {  	_ =	shalt  }
0x43: {  	_ =	shalt  }
0x44: {  	_ =	shalt  }
0x45: {  	_ =	shalt  }
0x46: {  	_ =	shalt  }
0x47: {  	_ =	shalt  }
0x48: {  	_ =	shalt  }
0x49: {  	_ =	shalt  }
0x4a: {  	_ =	shalt  }
0x4b: {  	_ =	shalt  }
0x4c: {  	_ =	shalt  }
0x4d: {  	_ =	shalt  }
0x4e: {  	_ =	shalt  }
0x4f: {  	_ =	shalt  }
0x50: {  	_ =	shalt  }
0x51: {  	_ =	shalt  }
0x52: {  	_ =	shalt  }
0x53: {  	_ =	shalt  }
0x54: {  	_ =	shalt  }
0x55: {  	_ =	shalt  }
0x56: {  	_ =	shalt  }
0x57: {  	_ =	shalt  }
0x58: {  	_ =	shalt  }
0x59: {  	_ =	shalt  }
0x5a: {  	_ =	shalt  }
0x5b: {  	_ =	shalt  }
0x5c: {  	_ =	shalt  }
0x5d: {  	_ =	shalt  }
0x5e: {  	_ =	shalt  }
0x5f: {  	_ =	shalt  }
0x60: {  	_ =	shalt  }
0x61: {  	_ =	shalt  }
0x62: {  	_ =	shalt  }
0x63: {  	_ =	shalt  }
0x64: {  	_ =	shalt  }
0x65: {  	_ =	shalt  }
0x66: {  	_ =	shalt  }
0x67: {  	_ =	shalt  }
0x68: {  	_ =	shalt  }
0x69: {  	_ =	shalt  }
0x6a: {  	_ =	shalt  }
0x6b: {  	_ =	shalt  }
0x6c: {  	_ =	shalt  }
0x6d: {  	_ =	shalt  }
0x6e: {  	_ =	shalt  }
0x6f: {  	_ =	shalt  }
0x70: {  	_ =	shalt  }
0x71: {  	_ =	shalt  }
0x72: {  	_ =	shalt  }
0x73: {  	_ =	shalt  }
0x74: {  	_ =	shalt  }
0x75: {  	_ =	shalt  }
0x76: {  	_ =	shalt  }
0x77: {  	_ =	shalt  }
0x78: {  	_ =	shalt  }
0x79: {  	_ =	shalt  }
0x7a: {  	_ =	shalt  }
0x7b: {  	_ =	shalt  }
0x7c: {  	_ =	shalt  }
0x7d: {  	_ =	shalt  }
0x7e: {  	_ =	shalt  }
0x7f: {  	_ =	shalt  }
0x80: {  	_ =	shalt  }
0x81: {  	_ =	shalt  }
0x82: {  	_ =	shalt  }
0x83: {  	_ =	shalt  }
0x84: {  	_ =	shalt  }
0x85: {  	_ =	shalt  }
0x86: {  	_ =	shalt  }
0x87: {  	_ =	shalt  }
.Lfunc_end0:
.L_simem_size_0:
called_computation_lowered:
.L_overlay_start_0:
0x88: {  	s2 =	sld [smem:$0x3FD9]  }
0x89: {  	s3 =	sld [smem:$0x3FFE];
	_ =	sdelay $0x1  }
0x8a: {  	s1 =	srdreg.scid  }
0x8b: {  	s0 =	sand.u32 $0x1, s1  }
0x8c: {  	s16 =	sshll.u32 s0, $0xA;
	s2 =	sadd.s32 s3, s2  }
0x8d: {  	s2 =	sadd.s32 s2, s16  }
0x8e: {  	[smem:$0x3FC6] =	sst s2  }
0x8f: {  	_ = 	snop  }
0x90: {  	(tm) =	ssettm $0x1  }
0x91: {  	s17 =	sld [smem:$0x3FFB];
	_ =	sdelay $0x3  }
0x92: {  	_ =	strace s17  }
0x93: {  	s2 =	sld [smem:$0x3FFC];
	_ =	sdelay $0x3  }
0x94: {  	_ =	strace s2  }
0x95: {  	s2 =	sld [smem:$0x3FFD];
	_ =	sdelay $0x3  }
0x96: {  	_ =	strace s2  }
0x97: {  	_ =	strace $0x8FFFFFFF  }
0x98: {  	s18 =	sld [smem:$0x3FDB];
	_ =	sdelay $0x1  }
0x99: {  	s19 =	simm.s32 $_scs_section_size  }
0x9a: {  	s4 =	simm.s32 $_size__tile_overlayer_lowered;
	s5 =	simm.s32 $_tile_overlayer_lowered  }
0x9b: {  	s22 =	simm.s32 $0x1BFF;
	s21 =	sshll.u32 s5, $0x1;
	s2 =	sadd.s32 s19, s18  }
0x9c: {  	s6 =	simm.s32 $0x0;
	s20 =	sshll.u32 s4, $0x1;
	s4 =	sadd.s32 s21, s2  }
0x9d: {  	[timem:s6], [sflag:s22] =	dma.local [hbm:s4], s20  }
0x9e: {  	_ =	swait.ge [sflag:s22], s20  }
0x9f: {  	s3 =	ssub.s32 $0x0, s20;
	[sflag:s22] =	ssyncset.done $0x0  }
0xa0: {  	[sflag:s22] =	ssyncadd.s32 s3;
	_ =	sdelay $0x1  }
0xa1: {  	s23 =	simm.s32 $0x1B8B  }
0xa2: {  	_ =	swait.ge [sflag:s23], $0x1  }
0xa3: {  	[sflag:s23] =	ssyncset.done $0x0  }
0xa4: {  	s25 =	simm.s32 $0x1B8E;
	s24 =	sld [smem:$0x3FFE];
	[sflag:s23] =	ssyncadd.s32 $0xFFFFFFFF  }
0xa5: {  	s26 =	simm.s32 $execute0_lowered;
	[smem:$0x3FD2] =	sst s25  }
0xa6: {  	s4 =	sshll.u32 s26, $0x1;
	_ =	strace $0x80000046;
	[dreg:$0x1] =	wrdreg $0xFFFFFFFF  }
0xa7: {  	s28 =	simm.s32 $_size_execute0_lowered;
	s2 =	sadd.s32 s2, s4;
	[dreg:$0x0] =	wrdreg $0x0  }
0xa8: {  	s4 =	sshll.u32 s28, $0x1;
	[dreg:$0x2] =	wrdreg s2  }
0xa9: {  	[dreg:$0x3] =	wrdreg s4  }
0xaa: {  	[dreg:$0x4] =	wrdreg $0xC0  }
0xab: {  	_ =	task [dreg:s6], $0x5FFFF  }
0xac: {  	[dreg:$0x1] =	wrdreg $0xFFFFFFFF  }
0xad: {  	[dreg:$0x0] =	wrdreg $0x60  }
0xae: {  	[dreg:$0x2] =	wrdreg s24  }
0xaf: {  	[dreg:$0x3] =	wrdreg $0x9  }
0xb0: {  	_ =	task.clear_ibuf [dreg:s6], $0x4FFFF;
	_ =	strace $0x90000046  }
0xb1: {  	s29 =	simm.s32 $0x9;
	_ =	strace $0x80000048  }
0xb2: {  	_ =	swait.ge [sflag:s29], $0x1  }
0xb3: {  	[sflag:s29] =	ssyncadd.s32 $0xFFFFFFFF  }
0xb4: {  	_ =	strace $0x90000048  }
0xb5: {  	_ =	sfence  }
0xb6: {  	s30 =	sld [smem:$0x0];
	_ =	sdelay $0x2  }
0xb7: {  	s31 =	sshll.u32 s1, $0xD;
	s1 =	sshrl.u32 s1, $0x2  }
0xb8: {  	s3 =	sand.u32 $0x4000, s31;
	s1 =	sadd.s32 s1, s30  }
0xb9: {  	s0 =	sor.u32 s3, s0;
	s1 =	sshll.u32 s1, $0x11  }
0xba: {  	s0 =	sor.u32 s1, s0  }
0xbb: {  	s0 =	sadd.s32 $0x8F2B, s0  }
0xbc: {  	[sflag:s0] =	ssyncadd.remote.s32 $0x1  }
0xbd: {  	_ =	sfence.sel $0xFFFF  }
0xbe: {  	[dreg:$0x0] =	wrdreg $0xFFFFFFFF;
	(pc) =	sbr.abs _section_cstart, $3  }
0xbf: {  	[dreg:$0x1] =	wrdreg $0xFFFFFFFF  }
0xc0: {  	_ =	task.clear_ibuf [dreg:s6], $0x2FFFF;
	_ =	strace $0x9FFFFFFF  }
0xc1: {  	(tm) =	ssettm $0x7FFFFFFF  }
tec
execute0_lowered:
.L_overlay_start_1:
0x0: {  	(tag) =	ssettag $0x1  }
0x1: {  	s1 =	srdreg.scid  }
0x2: {  	s0 =	stileid.u32;
	s5 =	rddreg [dreg:$0x0]  }
0x3: {  	s2 =	simm.s32 $0x0;
	s24 =	simm.s32 $0xCCCD;
	s19 =	simm.s32 $0x3  }
0x4: {  	s20 =	simm.s32 $0x1000;
	s21 =	simm.s32 $0x2000;
	s22 =	simm.s32 $0x3000  }
0x5: {  	s23 =	simm.s32 $0x1;
	s7 =	sand.u32 $0x1, s1;
	s30 =	sshll.u32 s0, $0x1  }
0x6: {  	s25 =	simm.s32 $0x4000;
	s1 =	rddreg [dreg:$0x1];
	s4 =	sor.u32 s7, s30  }
0x7: {  	s26 =	simm.s32 $0x0;
	[smem:$0x7FF] =	sst s2;
	s3 =	smul.u32 $0xD000, s4  }
0x8: {  	_ =	strace $0x80000047;
	s11 =	ssub.s32 $0x2, s7;
	s31 =	sshll.u32 s4, $0x7  }
0x9: {  	p0 =	slt.u32 s4, $0x19;
	s17 =	sadd.s32 s31, s5;
	s6 =	sshrl.u32 s3, $0x3  }
0xa: {  	s24 =	simm.s32 @!p0 $0xCCCC;
	s17 =	sadd.s32 $0x234800, s17;
	s16 =	sadd.s32 s6, s5  }
0xb: {  	s3 =	sadd.s32 $0x800, s5;
	s4 =	sadd.s32 $0x200800, s16;
	s5 =	sadd.s32 $0x200A00, s16  }
0xc: {  	v0 =	vlaneseq.u32;
	s12 =	sshrl.u32 s11, $0x1;
	s6 =	sadd.s32 $0x200C00, s16;
	s7 =	sadd.s32 $0x200E00, s16  }
0xd: {  	v0 =	vmul.u32 $0xFFFFFFFF, v0;
	s18 =	ssub.s32 s11, s12;
	s8 =	sadd.s32 $0x201200, s16;
	s9 =	sadd.s32 $0x201400, s16  }
0xe: {  	s18 =	smax.u32 s18, $0x1;
	s10 =	sadd.s32 $0x201600, s16;
	s11 =	sadd.s32 $0x201800, s16  }
0xf: {  	v0 =	vadd.s32 s24, v0;
	s24 =	simm.s32 $0x2;
	s12 =	sadd.s32 $0x201A00, s16;
	s13 =	sadd.s32 $0x201C00, s16  }
0x10: {  	v1 =	vimm.f32 $0.0e+00;
	s14 =	sadd.s32 $0x201E00, s16;
	s15 =	sadd.s32 $0x201000, s16;
	s16 =	sadd.s32 $0x202000, s16  }
.LBB2_1:
0x11: {  	[tilespmem:s2], [sflag:$0x3] =	stream.linear.gather [hbm4b:s4+s2], $0x1000, $0x38;
	[tilespmem:$0x4400] =	vst v63  }
0x12: {  	_ =	swait.ge [sflag:s19], $0x1000  }
0x13: {  	[sflag:s19] =	ssyncset.done $0x0  }
0x14: {  	[sflag:s19] =	ssyncadd.s32 $0xFFFFF000  }
0x15: {  	[tilespmem:s21], [sflag:$0x1] =	stream.indirect.gather [hbm4b:s3+s20], $0x1, s2, s20, $0xb8;
	[tilespmem:$0x4400] =	vst v63  }
0x16: {  	_ = 	snop  }
0x17: {  	[tilespmem:s20], [sflag:$0x3] =	stream.linear.gather [hbm4b:s5+s2], $0x1000, $0x38;
	[tilespmem:$0x4400] =	vst v63  }
0x18: {  	_ =	swait.ge [sflag:s19], $0x1000  }
0x19: {  	[sflag:s19] =	ssyncset.done $0x0  }
0x1a: {  	[sflag:s19] =	ssyncadd.s32 $0xFFFFF000  }
0x1b: {  	[tilespmem:s22], [sflag:$0x2] =	stream.indirect.gather [hbm4b:s3+s20], $0x1, s20, s20, $0xb8;
	[tilespmem:$0x4400] =	vst v63  }
0x1c: {  	_ =	swait.ge [sflag:s23], $0x1000  }
0x1d: {  	[sflag:s23] =	ssyncset.done $0x0  }
0x1e: {  	s29 =	simm.s32 $0x0;
	[sflag:s23] =	ssyncadd.s32 $0xFFFFF000  }
0x1f: {  	v7 =	vld [tilespmem:s29+$0x2000];
	_ =	sdelay $0x1  }
0x20: {  	v2 =	vimm.f32 $0.0e+00;
	v3 =	vimm.f32 $0.0e+00  }
0x21: {  	s28 =	simm.s32 $0x40;
	v4 =	vimm.f32 $0.0e+00;
	v5 =	vimm.f32 $0.0e+00;
	v6 =	vimm.f32 $0.0e+00  }
.LBB2_2:
0x22: {  	p0 =	sne.s32 s28, $0x3FC0  }
.Ltmp0:
0x23: {  	s29 =	sshra.s32 s28, $0x2;
	s28 =	sadd.s32 $0x40, s28;
	v8 =	vand.u32 $0xFFFF0000, v7;
	v9 =	vshll.u32 v7, $0x10;
	(pc) =	sbr.rel @p0 .LBB2_2-.Ltmp0, $4  }
0x24: {  	v7 =	vld [tilespmem:s29+$0x2000];
	v2 =	vadd.f32 v9, v2;
	v10 =	vmul.f32 v9, v9;
	v11 =	vmul.f32 v8, v8  }
0x25: {  	v3 =	vadd.f32 v8, v3;
	v8 =	vmul.f32 v8, v9  }
0x26: {  	v4 =	vadd.f32 v10, v4;
	v5 =	vadd.f32 v11, v5  }
0x27: {  	v6 =	vadd.f32 v8, v6  }
0x28: {  	s28 =	simm.s32 $0x0  }
0x29: {  	[tilespmem:s28], [sflag:$0x3] =	stream.linear.gather [hbm4b:s6+s28], $0x1000, $0x38;
	[tilespmem:$0x4400] =	vst v63  }
0x2a: {  	_ =	swait.ge [sflag:s19], $0x1000  }
0x2b: {  	[sflag:s19] =	ssyncset.done $0x0  }
0x2c: {  	[sflag:s19] =	ssyncadd.s32 $0xFFFFF000  }
0x2d: {  	[tilespmem:s21], [sflag:$0x1] =	stream.indirect.gather [hbm4b:s3+s20], $0x1, s28, s20, $0xb8;
	[tilespmem:$0x4400] =	vst v63  }
0x2e: {  	_ =	swait.ge [sflag:s24], $0x1000  }
0x2f: {  	v8 =	vshll.u32 v7, $0x10;
	[sflag:s24] =	ssyncset.done $0x0  }
0x30: {  	s29 =	simm.s32 $0x0;
	v7 =	vand.u32 $0xFFFF0000, v7;
	v9 =	vmul.f32 v8, v8;
	v2 =	vadd.f32 v8, v2;
	[sflag:s24] =	ssyncadd.s32 $0xFFFFF000  }
0x31: {  	v10 =	vmul.f32 v7, v7;
	v8 =	vmul.f32 v7, v8;
	v3 =	vadd.f32 v7, v3;
	v7 =	vld [tilespmem:s29+$0x3000];
	_ =	sdelay $0x1  }
0x32: {  	v4 =	vadd.f32 v9, v4  }
0x33: {  	v5 =	vadd.f32 v10, v5;
	v6 =	vadd.f32 v8, v6;
	s28 =	simm.s32 $0x40  }
.LBB2_4:
0x34: {  	p0 =	sne.s32 s28, $0x3FC0  }
.Ltmp1:
0x35: {  	s29 =	sshra.s32 s28, $0x2;
	s28 =	sadd.s32 $0x40, s28;
	v8 =	vand.u32 $0xFFFF0000, v7;
	v9 =	vshll.u32 v7, $0x10;
	(pc) =	sbr.rel @p0 .LBB2_4-.Ltmp1, $4  }
0x36: {  	v7 =	vld [tilespmem:s29+$0x3000];
	v2 =	vadd.f32 v9, v2;
	v10 =	vmul.f32 v9, v9;
	v11 =	vmul.f32 v8, v8  }
0x37: {  	v3 =	vadd.f32 v8, v3;
	v8 =	vmul.f32 v8, v9  }
0x38: {  	v4 =	vadd.f32 v10, v4;
	v5 =	vadd.f32 v11, v5  }
0x39: {  	v6 =	vadd.f32 v8, v6  }
0x3a: {  	s28 =	simm.s32 $0x0  }
0x3b: {  	[tilespmem:s20], [sflag:$0x3] =	stream.linear.gather [hbm4b:s7+s28], $0x1000, $0x38;
	[tilespmem:$0x4400] =	vst v63  }
0x3c: {  	_ =	swait.ge [sflag:s19], $0x1000  }
0x3d: {  	[sflag:s19] =	ssyncset.done $0x0  }
0x3e: {  	[sflag:s19] =	ssyncadd.s32 $0xFFFFF000  }
0x3f: {  	[tilespmem:s22], [sflag:$0x2] =	stream.indirect.gather [hbm4b:s3+s20], $0x1, s20, s20, $0xb8;
	[tilespmem:$0x4400] =	vst v63  }
0x40: {  	_ =	swait.ge [sflag:s23], $0x1000  }
0x41: {  	v8 =	vshll.u32 v7, $0x10;
	[sflag:s23] =	ssyncset.done $0x0  }
0x42: {  	s29 =	simm.s32 $0x0;
	v7 =	vand.u32 $0xFFFF0000, v7;
	v9 =	vmul.f32 v8, v8;
	v2 =	vadd.f32 v8, v2;
	[sflag:s23] =	ssyncadd.s32 $0xFFFFF000  }
0x43: {  	v10 =	vmul.f32 v7, v7;
	v8 =	vmul.f32 v7, v8;
	v3 =	vadd.f32 v7, v3;
	v7 =	vld [tilespmem:s29+$0x2000];
	_ =	sdelay $0x1  }
0x44: {  	v4 =	vadd.f32 v9, v4  }
0x45: {  	s28 =	simm.s32 $0x40;
	v5 =	vadd.f32 v10, v5;
	v6 =	vadd.f32 v8, v6  }
.LBB2_6:
0x46: {  	p0 =	sne.s32 s28, $0x3FC0  }
.Ltmp2:
0x47: {  	s29 =	sshra.s32 s28, $0x2;
	s28 =	sadd.s32 $0x40, s28;
	v8 =	vand.u32 $0xFFFF0000, v7;
	v9 =	vshll.u32 v7, $0x10;
	(pc) =	sbr.rel @p0 .LBB2_6-.Ltmp2, $4  }
0x48: {  	v7 =	vld [tilespmem:s29+$0x2000];
	v2 =	vadd.f32 v9, v2;
	v10 =	vmul.f32 v9, v9;
	v11 =	vmul.f32 v8, v8  }
0x49: {  	v3 =	vadd.f32 v8, v3;
	v8 =	vmul.f32 v8, v9  }
0x4a: {  	v4 =	vadd.f32 v10, v4;
	v5 =	vadd.f32 v11, v5  }
0x4b: {  	v6 =	vadd.f32 v8, v6  }
0x4c: {  	s28 =	simm.s32 $0x0  }
0x4d: {  	[tilespmem:s28], [sflag:$0x3] =	stream.linear.gather [hbm4b:s15+s28], $0x1000, $0x38;
	[tilespmem:$0x4400] =	vst v63  }
0x4e: {  	_ =	swait.ge [sflag:s19], $0x1000  }
0x4f: {  	[sflag:s19] =	ssyncset.done $0x0  }
0x50: {  	[sflag:s19] =	ssyncadd.s32 $0xFFFFF000  }
0x51: {  	[tilespmem:s21], [sflag:$0x1] =	stream.indirect.gather [hbm4b:s3+s20], $0x1, s28, s20, $0xb8;
	[tilespmem:$0x4400] =	vst v63  }
0x52: {  	_ =	swait.ge [sflag:s24], $0x1000  }
0x53: {  	v8 =	vshll.u32 v7, $0x10;
	[sflag:s24] =	ssyncset.done $0x0  }
0x54: {  	s29 =	simm.s32 $0x0;
	v7 =	vand.u32 $0xFFFF0000, v7;
	v9 =	vmul.f32 v8, v8;
	v2 =	vadd.f32 v8, v2;
	[sflag:s24] =	ssyncadd.s32 $0xFFFFF000  }
0x55: {  	v10 =	vmul.f32 v7, v7;
	v8 =	vmul.f32 v7, v8;
	v3 =	vadd.f32 v7, v3;
	v7 =	vld [tilespmem:s29+$0x3000];
	_ =	sdelay $0x1  }
0x56: {  	v4 =	vadd.f32 v9, v4  }
0x57: {  	v5 =	vadd.f32 v10, v5;
	v6 =	vadd.f32 v8, v6;
	s28 =	simm.s32 $0x40  }
.LBB2_8:
0x58: {  	p0 =	sne.s32 s28, $0x3FC0  }
.Ltmp3:
0x59: {  	s29 =	sshra.s32 s28, $0x2;
	s28 =	sadd.s32 $0x40, s28;
	v8 =	vand.u32 $0xFFFF0000, v7;
	v9 =	vshll.u32 v7, $0x10;
	(pc) =	sbr.rel @p0 .LBB2_8-.Ltmp3, $4  }
0x5a: {  	v7 =	vld [tilespmem:s29+$0x3000];
	v2 =	vadd.f32 v9, v2;
	v10 =	vmul.f32 v9, v9;
	v11 =	vmul.f32 v8, v8  }
0x5b: {  	v3 =	vadd.f32 v8, v3;
	v8 =	vmul.f32 v8, v9  }
0x5c: {  	v4 =	vadd.f32 v10, v4;
	v5 =	vadd.f32 v11, v5  }
0x5d: {  	v6 =	vadd.f32 v8, v6  }
0x5e: {  	s28 =	simm.s32 $0x0  }
0x5f: {  	[tilespmem:s20], [sflag:$0x3] =	stream.linear.gather [hbm4b:s8+s28], $0x1000, $0x38;
	[tilespmem:$0x4400] =	vst v63  }
0x60: {  	_ =	swait.ge [sflag:s19], $0x1000  }
0x61: {  	[sflag:s19] =	ssyncset.done $0x0  }
0x62: {  	[sflag:s19] =	ssyncadd.s32 $0xFFFFF000  }
0x63: {  	[tilespmem:s22], [sflag:$0x2] =	stream.indirect.gather [hbm4b:s3+s20], $0x1, s20, s20, $0xb8;
	[tilespmem:$0x4400] =	vst v63  }
0x64: {  	_ =	swait.ge [sflag:s23], $0x1000  }
0x65: {  	v8 =	vshll.u32 v7, $0x10;
	[sflag:s23] =	ssyncset.done $0x0  }
0x66: {  	s29 =	simm.s32 $0x0;
	v7 =	vand.u32 $0xFFFF0000, v7;
	v9 =	vmul.f32 v8, v8;
	v2 =	vadd.f32 v8, v2;
	[sflag:s23] =	ssyncadd.s32 $0xFFFFF000  }
0x67: {  	v10 =	vmul.f32 v7, v7;
	v8 =	vmul.f32 v7, v8;
	v3 =	vadd.f32 v7, v3;
	v7 =	vld [tilespmem:s29+$0x2000];
	_ =	sdelay $0x1  }
0x68: {  	v4 =	vadd.f32 v9, v4  }
0x69: {  	s28 =	simm.s32 $0x40;
	v5 =	vadd.f32 v10, v5;
	v6 =	vadd.f32 v8, v6  }
.LBB2_10:
0x6a: {  	p0 =	sne.s32 s28, $0x3FC0  }
.Ltmp4:
0x6b: {  	s29 =	sshra.s32 s28, $0x2;
	s28 =	sadd.s32 $0x40, s28;
	v8 =	vand.u32 $0xFFFF0000, v7;
	v9 =	vshll.u32 v7, $0x10;
	(pc) =	sbr.rel @p0 .LBB2_10-.Ltmp4, $4  }
0x6c: {  	v7 =	vld [tilespmem:s29+$0x2000];
	v2 =	vadd.f32 v9, v2;
	v10 =	vmul.f32 v9, v9;
	v11 =	vmul.f32 v8, v8  }
0x6d: {  	v3 =	vadd.f32 v8, v3;
	v8 =	vmul.f32 v8, v9  }
0x6e: {  	v4 =	vadd.f32 v10, v4;
	v5 =	vadd.f32 v11, v5  }
0x6f: {  	v6 =	vadd.f32 v8, v6  }
0x70: {  	s28 =	simm.s32 $0x0  }
0x71: {  	[tilespmem:s28], [sflag:$0x3] =	stream.linear.gather [hbm4b:s9+s28], $0x1000, $0x38;
	[tilespmem:$0x4400] =	vst v63  }
0x72: {  	_ =	swait.ge [sflag:s19], $0x1000  }
0x73: {  	[sflag:s19] =	ssyncset.done $0x0  }
0x74: {  	[sflag:s19] =	ssyncadd.s32 $0xFFFFF000  }
0x75: {  	[tilespmem:s21], [sflag:$0x1] =	stream.indirect.gather [hbm4b:s3+s20], $0x1, s28, s20, $0xb8;
	[tilespmem:$0x4400] =	vst v63  }
0x76: {  	_ =	swait.ge [sflag:s24], $0x1000  }
0x77: {  	v8 =	vshll.u32 v7, $0x10;
	[sflag:s24] =	ssyncset.done $0x0  }
0x78: {  	s29 =	simm.s32 $0x0;
	v7 =	vand.u32 $0xFFFF0000, v7;
	v9 =	vmul.f32 v8, v8;
	v2 =	vadd.f32 v8, v2;
	[sflag:s24] =	ssyncadd.s32 $0xFFFFF000  }
0x79: {  	v10 =	vmul.f32 v7, v7;
	v8 =	vmul.f32 v7, v8;
	v3 =	vadd.f32 v7, v3;
	v7 =	vld [tilespmem:s29+$0x3000];
	_ =	sdelay $0x1  }
0x7a: {  	v4 =	vadd.f32 v9, v4  }
0x7b: {  	v5 =	vadd.f32 v10, v5;
	v6 =	vadd.f32 v8, v6;
	s28 =	simm.s32 $0x40  }
.LBB2_12:
0x7c: {  	p0 =	sne.s32 s28, $0x3FC0  }
.Ltmp5:
0x7d: {  	s29 =	sshra.s32 s28, $0x2;
	s28 =	sadd.s32 $0x40, s28;
	v8 =	vand.u32 $0xFFFF0000, v7;
	v9 =	vshll.u32 v7, $0x10;
	(pc) =	sbr.rel @p0 .LBB2_12-.Ltmp5, $4  }
0x7e: {  	v7 =	vld [tilespmem:s29+$0x3000];
	v2 =	vadd.f32 v9, v2;
	v10 =	vmul.f32 v9, v9;
	v11 =	vmul.f32 v8, v8  }
0x7f: {  	v3 =	vadd.f32 v8, v3;
	v8 =	vmul.f32 v8, v9  }
0x80: {  	v4 =	vadd.f32 v10, v4;
	v5 =	vadd.f32 v11, v5  }
0x81: {  	v6 =	vadd.f32 v8, v6  }
0x82: {  	s28 =	simm.s32 $0x0  }
0x83: {  	[tilespmem:s20], [sflag:$0x3] =	stream.linear.gather [hbm4b:s10+s28], $0x1000, $0x38;
	[tilespmem:$0x4400] =	vst v63  }
0x84: {  	_ =	swait.ge [sflag:s19], $0x1000  }
0x85: {  	[sflag:s19] =	ssyncset.done $0x0  }
0x86: {  	[sflag:s19] =	ssyncadd.s32 $0xFFFFF000  }
0x87: {  	[tilespmem:s22], [sflag:$0x2] =	stream.indirect.gather [hbm4b:s3+s20], $0x1, s20, s20, $0xb8;
	[tilespmem:$0x4400] =	vst v63  }
0x88: {  	_ =	swait.ge [sflag:s23], $0x1000  }
0x89: {  	v8 =	vshll.u32 v7, $0x10;
	[sflag:s23] =	ssyncset.done $0x0  }
0x8a: {  	s29 =	simm.s32 $0x0;
	v7 =	vand.u32 $0xFFFF0000, v7;
	v9 =	vmul.f32 v8, v8;
	v2 =	vadd.f32 v8, v2;
	[sflag:s23] =	ssyncadd.s32 $0xFFFFF000  }
0x8b: {  	v10 =	vmul.f32 v7, v7;
	v8 =	vmul.f32 v7, v8;
	v3 =	vadd.f32 v7, v3;
	v7 =	vld [tilespmem:s29+$0x2000];
	_ =	sdelay $0x1  }
0x8c: {  	v4 =	vadd.f32 v9, v4  }
0x8d: {  	s28 =	simm.s32 $0x40;
	v5 =	vadd.f32 v10, v5;
	v6 =	vadd.f32 v8, v6  }
.LBB2_14:
0x8e: {  	p0 =	sne.s32 s28, $0x3FC0  }
.Ltmp6:
0x8f: {  	s29 =	sshra.s32 s28, $0x2;
	s28 =	sadd.s32 $0x40, s28;
	v8 =	vand.u32 $0xFFFF0000, v7;
	v9 =	vshll.u32 v7, $0x10;
	(pc) =	sbr.rel @p0 .LBB2_14-.Ltmp6, $4  }
0x90: {  	v7 =	vld [tilespmem:s29+$0x2000];
	v2 =	vadd.f32 v9, v2;
	v10 =	vmul.f32 v9, v9;
	v11 =	vmul.f32 v8, v8  }
0x91: {  	v3 =	vadd.f32 v8, v3;
	v8 =	vmul.f32 v8, v9  }
0x92: {  	v4 =	vadd.f32 v10, v4;
	v5 =	vadd.f32 v11, v5  }
0x93: {  	v6 =	vadd.f32 v8, v6  }
0x94: {  	s28 =	simm.s32 $0x0  }
0x95: {  	[tilespmem:s28], [sflag:$0x3] =	stream.linear.gather [hbm4b:s11+s28], $0x1000, $0x38;
	[tilespmem:$0x4400] =	vst v63  }
0x96: {  	_ =	swait.ge [sflag:s19], $0x1000  }
0x97: {  	[sflag:s19] =	ssyncset.done $0x0  }
0x98: {  	[sflag:s19] =	ssyncadd.s32 $0xFFFFF000  }
0x99: {  	[tilespmem:s21], [sflag:$0x1] =	stream.indirect.gather [hbm4b:s3+s20], $0x1, s28, s20, $0xb8;
	[tilespmem:$0x4400] =	vst v63  }
0x9a: {  	_ =	swait.ge [sflag:s24], $0x1000  }
0x9b: {  	v8 =	vshll.u32 v7, $0x10;
	[sflag:s24] =	ssyncset.done $0x0  }
0x9c: {  	s29 =	simm.s32 $0x0;
	v7 =	vand.u32 $0xFFFF0000, v7;
	v9 =	vmul.f32 v8, v8;
	v2 =	vadd.f32 v8, v2;
	[sflag:s24] =	ssyncadd.s32 $0xFFFFF000  }
0x9d: {  	v10 =	vmul.f32 v7, v7;
	v8 =	vmul.f32 v7, v8;
	v3 =	vadd.f32 v7, v3;
	v7 =	vld [tilespmem:s29+$0x3000];
	_ =	sdelay $0x1  }
0x9e: {  	v4 =	vadd.f32 v9, v4  }
0x9f: {  	v5 =	vadd.f32 v10, v5;
	v6 =	vadd.f32 v8, v6;
	s28 =	simm.s32 $0x40  }
.LBB2_16:
0xa0: {  	p0 =	sne.s32 s28, $0x3FC0  }
.Ltmp7:
0xa1: {  	s29 =	sshra.s32 s28, $0x2;
	s28 =	sadd.s32 $0x40, s28;
	v8 =	vand.u32 $0xFFFF0000, v7;
	v9 =	vshll.u32 v7, $0x10;
	(pc) =	sbr.rel @p0 .LBB2_16-.Ltmp7, $4  }
0xa2: {  	v7 =	vld [tilespmem:s29+$0x3000];
	v2 =	vadd.f32 v9, v2;
	v10 =	vmul.f32 v9, v9;
	v11 =	vmul.f32 v8, v8  }
0xa3: {  	v3 =	vadd.f32 v8, v3;
	v8 =	vmul.f32 v8, v9  }
0xa4: {  	v4 =	vadd.f32 v10, v4;
	v5 =	vadd.f32 v11, v5  }
0xa5: {  	v6 =	vadd.f32 v8, v6  }
0xa6: {  	s28 =	simm.s32 $0x0  }
0xa7: {  	[tilespmem:s20], [sflag:$0x3] =	stream.linear.gather [hbm4b:s12+s28], $0x1000, $0x38;
	[tilespmem:$0x4400] =	vst v63  }
0xa8: {  	_ =	swait.ge [sflag:s19], $0x1000  }
0xa9: {  	[sflag:s19] =	ssyncset.done $0x0  }
0xaa: {  	[sflag:s19] =	ssyncadd.s32 $0xFFFFF000  }
0xab: {  	[tilespmem:s22], [sflag:$0x2] =	stream.indirect.gather [hbm4b:s3+s20], $0x1, s20, s20, $0xb8;
	[tilespmem:$0x4400] =	vst v63  }
0xac: {  	_ =	swait.ge [sflag:s23], $0x1000  }
0xad: {  	v8 =	vshll.u32 v7, $0x10;
	[sflag:s23] =	ssyncset.done $0x0  }
0xae: {  	s29 =	simm.s32 $0x0;
	v7 =	vand.u32 $0xFFFF0000, v7;
	v9 =	vmul.f32 v8, v8;
	v2 =	vadd.f32 v8, v2;
	[sflag:s23] =	ssyncadd.s32 $0xFFFFF000  }
0xaf: {  	v10 =	vmul.f32 v7, v7;
	v8 =	vmul.f32 v7, v8;
	v3 =	vadd.f32 v7, v3;
	v7 =	vld [tilespmem:s29+$0x2000];
	_ =	sdelay $0x1  }
0xb0: {  	v4 =	vadd.f32 v9, v4  }
0xb1: {  	s28 =	simm.s32 $0x40;
	v5 =	vadd.f32 v10, v5;
	v6 =	vadd.f32 v8, v6  }
.LBB2_18:
0xb2: {  	p0 =	sne.s32 s28, $0x3FC0  }
.Ltmp8:
0xb3: {  	s29 =	sshra.s32 s28, $0x2;
	s28 =	sadd.s32 $0x40, s28;
	v8 =	vand.u32 $0xFFFF0000, v7;
	v9 =	vshll.u32 v7, $0x10;
	(pc) =	sbr.rel @p0 .LBB2_18-.Ltmp8, $4  }
0xb4: {  	v7 =	vld [tilespmem:s29+$0x2000];
	v2 =	vadd.f32 v9, v2;
	v10 =	vmul.f32 v9, v9;
	v11 =	vmul.f32 v8, v8  }
0xb5: {  	v3 =	vadd.f32 v8, v3;
	v8 =	vmul.f32 v8, v9  }
0xb6: {  	v4 =	vadd.f32 v10, v4;
	v5 =	vadd.f32 v11, v5  }
0xb7: {  	v6 =	vadd.f32 v8, v6  }
0xb8: {  	s28 =	simm.s32 $0x0  }
0xb9: {  	[tilespmem:s28], [sflag:$0x3] =	stream.linear.gather [hbm4b:s13+s28], $0x1000, $0x38;
	[tilespmem:$0x4400] =	vst v63  }
0xba: {  	_ =	swait.ge [sflag:s19], $0x1000  }
0xbb: {  	[sflag:s19] =	ssyncset.done $0x0  }
0xbc: {  	[sflag:s19] =	ssyncadd.s32 $0xFFFFF000  }
0xbd: {  	[tilespmem:s21], [sflag:$0x1] =	stream.indirect.gather [hbm4b:s3+s20], $0x1, s28, s20, $0xb8;
	[tilespmem:$0x4400] =	vst v63  }
0xbe: {  	_ =	swait.ge [sflag:s24], $0x1000  }
0xbf: {  	v8 =	vshll.u32 v7, $0x10;
	[sflag:s24] =	ssyncset.done $0x0  }
0xc0: {  	s29 =	simm.s32 $0x0;
	v7 =	vand.u32 $0xFFFF0000, v7;
	v9 =	vmul.f32 v8, v8;
	v2 =	vadd.f32 v8, v2;
	[sflag:s24] =	ssyncadd.s32 $0xFFFFF000  }
0xc1: {  	v10 =	vmul.f32 v7, v7;
	v8 =	vmul.f32 v7, v8;
	v3 =	vadd.f32 v7, v3;
	v7 =	vld [tilespmem:s29+$0x3000];
	_ =	sdelay $0x1  }
0xc2: {  	v4 =	vadd.f32 v9, v4  }
0xc3: {  	v5 =	vadd.f32 v10, v5;
	v6 =	vadd.f32 v8, v6;
	s28 =	simm.s32 $0x40  }
.LBB2_20:
0xc4: {  	p0 =	sne.s32 s28, $0x3FC0  }
.Ltmp9:
0xc5: {  	s29 =	sshra.s32 s28, $0x2;
	s28 =	sadd.s32 $0x40, s28;
	v8 =	vand.u32 $0xFFFF0000, v7;
	v9 =	vshll.u32 v7, $0x10;
	(pc) =	sbr.rel @p0 .LBB2_20-.Ltmp9, $4  }
0xc6: {  	v7 =	vld [tilespmem:s29+$0x3000];
	v2 =	vadd.f32 v9, v2;
	v10 =	vmul.f32 v9, v9;
	v11 =	vmul.f32 v8, v8  }
0xc7: {  	v3 =	vadd.f32 v8, v3;
	v8 =	vmul.f32 v8, v9  }
0xc8: {  	v4 =	vadd.f32 v10, v4;
	v5 =	vadd.f32 v11, v5  }
0xc9: {  	v6 =	vadd.f32 v8, v6  }
0xca: {  	s28 =	simm.s32 $0x0  }
0xcb: {  	[tilespmem:s20], [sflag:$0x3] =	stream.linear.gather [hbm4b:s14+s28], $0x1000, $0x38;
	[tilespmem:$0x4400] =	vst v63  }
0xcc: {  	_ =	swait.ge [sflag:s19], $0x1000  }
0xcd: {  	[sflag:s19] =	ssyncset.done $0x0  }
0xce: {  	[sflag:s19] =	ssyncadd.s32 $0xFFFFF000  }
0xcf: {  	[tilespmem:s22], [sflag:$0x2] =	stream.indirect.gather [hbm4b:s3+s20], $0x1, s20, s20, $0xb8;
	[tilespmem:$0x4400] =	vst v63  }
0xd0: {  	_ =	swait.ge [sflag:s23], $0x1000  }
0xd1: {  	v8 =	vshll.u32 v7, $0x10;
	[sflag:s23] =	ssyncset.done $0x0  }
0xd2: {  	s29 =	simm.s32 $0x0;
	v7 =	vand.u32 $0xFFFF0000, v7;
	v9 =	vmul.f32 v8, v8;
	v2 =	vadd.f32 v8, v2;
	[sflag:s23] =	ssyncadd.s32 $0xFFFFF000  }
0xd3: {  	v10 =	vmul.f32 v7, v7;
	v8 =	vmul.f32 v7, v8;
	v3 =	vadd.f32 v7, v3;
	v7 =	vld [tilespmem:s29+$0x2000];
	_ =	sdelay $0x1  }
0xd4: {  	v4 =	vadd.f32 v9, v4  }
0xd5: {  	s28 =	simm.s32 $0x40;
	v5 =	vadd.f32 v10, v5;
	v6 =	vadd.f32 v8, v6  }
.LBB2_22:
0xd6: {  	p0 =	sne.s32 s28, $0x3FC0  }
.Ltmp10:
0xd7: {  	s29 =	sshra.s32 s28, $0x2;
	s28 =	sadd.s32 $0x40, s28;
	v8 =	vand.u32 $0xFFFF0000, v7;
	v9 =	vshll.u32 v7, $0x10;
	(pc) =	sbr.rel @p0 .LBB2_22-.Ltmp10, $4  }
0xd8: {  	v7 =	vld [tilespmem:s29+$0x2000];
	v2 =	vadd.f32 v9, v2;
	v10 =	vmul.f32 v9, v9;
	v11 =	vmul.f32 v8, v8  }
0xd9: {  	v3 =	vadd.f32 v8, v3;
	v8 =	vmul.f32 v8, v9  }
0xda: {  	v4 =	vadd.f32 v10, v4;
	v5 =	vadd.f32 v11, v5  }
0xdb: {  	v6 =	vadd.f32 v8, v6  }
0xdc: {  	s28 =	simm.s32 $0x0  }
0xdd: {  	[tilespmem:s28], [sflag:$0x3] =	stream.linear.gather [hbm4b:s16+s28], $0x1000, $0x38;
	[tilespmem:$0x4400] =	vst v63  }
0xde: {  	_ =	swait.ge [sflag:s19], $0x1000  }
0xdf: {  	[sflag:s19] =	ssyncset.done $0x0  }
0xe0: {  	[sflag:s19] =	ssyncadd.s32 $0xFFFFF000  }
0xe1: {  	[tilespmem:s21], [sflag:$0x1] =	stream.indirect.gather [hbm4b:s3+s20], $0x1, s28, s20, $0xb8;
	[tilespmem:$0x4400] =	vst v63  }
0xe2: {  	v9 =	vshll.u32 v7, $0x10;
	v7 =	vand.u32 $0xFFFF0000, v7;
	_ =	swait.ge [sflag:s24], $0x1000  }
0xe3: {  	v8 =	vadd.f32 v9, v2;
	v2 =	vmul.f32 v7, v7;
	[sflag:s24] =	ssyncset.done $0x0  }
0xe4: {  	s29 =	simm.s32 $0x0;
	[sflag:s24] =	ssyncadd.s32 $0xFFFFF000  }
0xe5: {  	v2 =	vadd.f32 v2, v5;
	v5 =	vld [tilespmem:s29+$0x3000]  }
0xe6: {  	v10 =	vmul.f32 v9, v9;
	v9 =	vmul.f32 v7, v9  }
0xe7: {  	v7 =	vadd.f32 v7, v3  }
0xe8: {  	v4 =	vadd.f32 v10, v4;
	v3 =	vadd.f32 v9, v6;
	s28 =	simm.s32 $0x40  }
.LBB2_24:
0xe9: {  	p0 =	sne.s32 s28, $0x3FC0  }
.Ltmp11:
0xea: {  	s29 =	sshra.s32 s28, $0x2;
	s28 =	sadd.s32 $0x40, s28;
	v6 =	vand.u32 $0xFFFF0000, v5;
	v9 =	vshll.u32 v5, $0x10;
	(pc) =	sbr.rel @p0 .LBB2_24-.Ltmp11, $4  }
0xeb: {  	v5 =	vld [tilespmem:s29+$0x3000];
	v8 =	vadd.f32 v9, v8;
	v10 =	vmul.f32 v9, v9;
	v11 =	vmul.f32 v6, v6  }
0xec: {  	v7 =	vadd.f32 v6, v7;
	v6 =	vmul.f32 v6, v9  }
0xed: {  	v4 =	vadd.f32 v10, v4;
	v2 =	vadd.f32 v11, v2  }
0xee: {  	v3 =	vadd.f32 v6, v3  }
0xef: {  	_ =	swait.ge [sflag:s23], $0x1000  }
0xf0: {  	[sflag:s23] =	ssyncset.done $0x0  }
0xf1: {  	s28 =	simm.s32 $0x2000;
	[sflag:s23] =	ssyncadd.s32 $0xFFFFF000  }
0xf2: {  	v6 =	vld [tilespmem:s28+$0x0]  }
0xf3: {  	v9 =	vshll.u32 v5, $0x10  }
0xf4: {  	v5 =	vand.u32 $0xFFFF0000, v5;
	v8 =	vadd.f32 v9, v8;
	s28 =	simm.s32 $0xC000  }
0xf5: {  	v10 =	vmul.f32 v9, v9;
	v11 =	vmul.f32 v5, v5;
	v12 =	vmov s28  }
0xf6: {  	v7 =	vadd.f32 v5, v7;
	v5 =	vmul.f32 v5, v9;
	vm0 =	vlt.u32 v12, v0  }
0xf7: {  	s28 =	simm.s32 $0x2010;
	v12 =	vsel vm0, $0x3F800000, v1;
	v9 =	vand.u32 $0xFFFF0000, v6;
	v6 =	vshll.u32 v6, $0x10  }
0xf8: {  	v10 =	vadd.f32 v10, v4;
	v13 =	vld [tilespmem:s28+$0x0];
	s28 =	simm.s32 $0xC010;
	v6 =	vmul.f32 v6, v12  }
0xf9: {  	v11 =	vadd.f32 v11, v2;
	v63 =	vmov s28;
	v9 =	vmul.f32 v9, v12  }
0xfa: {  	v2 =	vadd.f32 v5, v3;
	vm15 =	vlt.u32 v63, v0;
	v3 =	vmul.f32 v6, v6  }
0xfb: {  	v4 =	vadd.f32 v6, v8;
	v8 =	vmul.f32 v9, v9;
	v5 =	vadd.f32 v9, v7  }
0xfc: {  	v7 =	vmul.f32 v9, v6;
	v9 =	vsel vm15, $0x3F800000, v1;
	v6 =	vadd.f32 v3, v10  }
0xfd: {  	s29 =	simm.s32 $0x2020;
	s28 =	simm.s32 $0xC020;
	v3 =	vadd.f32 v8, v11;
	v8 =	vand.u32 $0xFFFF0000, v13;
	v10 =	vshll.u32 v13, $0x10  }
.LBB2_26:
0xfe: {  	v11 =	vld [tilespmem:s29+$0x0];
	p0 =	sne.s32 s28, $0xCFF0;
	v10 =	vmul.f32 v10, v9;
	v8 =	vmul.f32 v8, v9;
	v2 =	vadd.f32 v7, v2;
	s30 =	smov.u32 s28;
	s28 =	sadd.s32 $0x10, s28  }
.Ltmp12:
0xff: {  	(pc) =	sbr.rel @p0 .LBB2_26-.Ltmp12, $4  }
0x100: {  	v4 =	vadd.f32 v10, v4;
	v9 =	vmul.f32 v10, v10;
	v12 =	vmul.f32 v8, v8  }
0x101: {  	v13 =	vmov s30;
	v5 =	vadd.f32 v8, v5;
	v7 =	vmul.f32 v8, v10  }
0x102: {  	vm0 =	vlt.u32 v13, v0;
	v6 =	vadd.f32 v9, v6;
	v3 =	vadd.f32 v12, v3  }
0x103: {  	s29 =	sadd.s32 $0x10, s29;
	v9 =	vsel vm0, $0x3F800000, v1;
	v8 =	vand.u32 $0xFFFF0000, v11;
	v10 =	vshll.u32 v11, $0x10  }
0x104: {  	v10 =	vmul.f32 v10, v9  }
0x105: {  	v8 =	vmul.f32 v8, v9  }
0x106: {  	v4 =	vadd.f32 v10, v4;
	v62 =	vmul.f32 v10, v10  }
0x107: {  	v2 =	vadd.f32 v7, v2;
	v5 =	vadd.f32 v8, v5;
	v63 =	vmul.f32 v8, v10  }
0x108: {  	v8 =	vmul.f32 v8, v8;
	v6 =	vadd.f32 v62, v6;
	[tilespmem:$0x4000] =	vst v4  }
0x109: {  	v2 =	vadd.f32 v63, v2;
	[tilespmem:$0x4080] =	vst v5  }
0x10a: {  	s26 =	sadd.s32 $0x1, s26;
	v3 =	vadd.f32 v8, v3;
	[tilespmem:$0x4100] =	vst v6  }
0x10b: {  	p0 =	sne.s32 s26, s18;
	[tilespmem:$0x4180] =	vst v2  }
.Ltmp13:
0x10c: {  	[tilespmem:$0x4200] =	vst v3;
	(pc) =	sbr.rel @p0 .LBB2_1-.Ltmp13, $4  }
0x10d: {  	[hbm4b:s17+s2] =	stream.linear.scatter [tilespmem:s25], [sflag:$0x3], $0x280, $0x38;
	[tilespmem:$0x4400] =	vst v63  }
0x10e: {  	_ =	swait.ge [sflag:s19], $0x280  }
0x10f: {  	[sflag:s19] =	ssyncset.done $0x0  }
0x110: {  	[sflag:s19] =	ssyncadd.s32 $0xFFFFFD80  }
0x111: {  	_ =	sfence.sel $0x180000  }
0x112: {  	[bflag:$0x0] =	sbarrier.arrive $0xFFFF  }
0x113: {  	p0 =	sne.s32 s0, $0x0;
	_ =	strace $0x90000047  }
0x114: {  	s0 =	sadd.s32 @!p0 $0x100000, s1;
	[bflag:$0x2] =	sbarrier.arrive $0xFFFF  }
0x115: {  	[sflag:s0] =	ssyncadd.tile.s32 @!p0 $0x1;
	_ =	shalt  }
.Lfunc_end2:
_tile_overlayer_lowered:
.L_overlay_start_2:
0x116: {  	(tag) =	ssettag $0x2  }
0x117: {  	s0 =	rddreg [dreg:$0x0];
	s2 =	stileid.u32  }
0x118: {  	s1 =	rddreg [dreg:$0x1];
	p0 =	sne.s32 s2, $0x0  }
0x119: {  	s3 =	rddreg [dreg:$0x2];
	[bflag:$0x3] =	sbarrier.arrive $0xFFFF;
	s2 =	simm.s32 @!p0 $0x1C03  }
0x11a: {  	[timem:s3], [sflag:s2] =	dma.local @!p0 [hbm:s0], s1  }
0x11b: {  	s0 =	simm.s32 @!p0 $0x3  }
0x11c: {  	_ =	swait.ge @!p0 [sflag:s0], s1  }
0x11d: {  	s1 =	ssub.s32 @!p0 $0x0, s1;
	[sflag:s0] =	ssyncset.done @!p0 $0x0  }
0x11e: {  	[sflag:s0] =	ssyncadd.s32 @!p0 s1  }
0x11f: {  	[bflag:$0x3] =	sbarrier.arrive $0xFFFF  }
0x120: {  	_ =	shalt  }

</sc_bundles>
